<compile_context>
chip_gen: v7x
topology: tpu7x:2x2x1
jax: 0.10.2.dev20260603
libtpu: 0.0.44.dev20260713+nightly
codegen_flags: <defaults>
</compile_context>

<pallas_src>
import functools

import jax
import jax.numpy as jnp
from jax import lax
from jax.experimental import pallas as pl
from jax.experimental.pallas import tpu as pltpu
from jax.experimental.pallas import tpu_sc as plsc

_K = 100
_KPAD = 112
_TPAD = 128


@functools.lru_cache(maxsize=None)
def _make_pwl_map(nrow, ncol):
    info = plsc.get_sparse_core_info()
    nc, ns, nl = info.num_cores, info.num_subcores, info.num_lanes
    nw = nc * ns
    assert ncol % nl == 0 and nl == 16 and nrow % 8 == 0
    r_lo = (nrow // nw) // 8 * 8
    r_hi = r_lo + 8
    n_hi = (nrow - r_lo * nw) // 8
    assert r_lo * nw + 8 * n_hi == nrow and 0 <= n_hi <= nw
    nchunk = _KPAD // nl
    mesh = plsc.VectorSubcoreMesh(core_axis_name="c", subcore_axis_name="s")

    @functools.partial(
        pl.kernel,
        mesh=mesh,
        compiler_params=pltpu.CompilerParams(
            needs_layout_passes=False, use_tc_tiling_on_sc=True),
        out_type=jax.ShapeDtypeStruct((nrow, ncol), jnp.float32),
        scratch_types=[
            pltpu.VMEM((r_hi, ncol), jnp.float32),
            pltpu.VMEM((r_hi, ncol), jnp.float32),
            pltpu.VMEM((_KPAD,), jnp.float32),
            pltpu.VMEM((_TPAD,), jnp.float32),
            pltpu.VMEM((_TPAD,), jnp.float32),
            pltpu.VMEM((_TPAD,), jnp.float32),
            pltpu.VMEM((nl,), jnp.float32),
        ],
    )
    def pwl_map(x_hbm, tu_hbm, sl_hbm, b_hbm, out_hbm,
                xv, yv, tuv, tv, av, slv, bv):
        wid = lax.axis_index("s") * nc + lax.axis_index("c")
        is_hi = wid < n_hi
        base = jnp.where(is_hi, wid * r_hi, n_hi * 8 + wid * r_lo)
        pltpu.sync_copy(tu_hbm, tuv.at[pl.ds(0, _K)])
        pltpu.sync_copy(sl_hbm, slv.at[pl.ds(0, _K + 1)])
        pltpu.sync_copy(b_hbm, bv.at[pl.ds(0, 1)])
        pltpu.sync_copy(x_hbm.at[pl.ds(base, r_lo), :],
                        xv.at[pl.ds(0, r_lo), :])

        @pl.when(is_hi)
        def _():
            pltpu.sync_copy(x_hbm.at[pl.ds(base + r_lo, 8), :],
                            xv.at[pl.ds(r_lo, 8), :])

        iota = jnp.arange(nl, dtype=jnp.int32)
        inf16 = jnp.full((nl,), jnp.inf, jnp.float32)

        w = [tuv[pl.ds(c * nl, nl)] for c in range(nchunk)]

        def rank_body(j, ranks):
            bc = plsc.load_gather(tuv, [jnp.full((nl,), j, jnp.int32)])
            out = []
            for c in range(nchunk):
                lt = bc < w[c]
                eq_before = (bc == w[c]) & (j < (iota + c * nl))
                out.append(ranks[c] + jnp.where(lt | eq_before, 1, 0))
            return tuple(out)

        ranks = lax.fori_loop(
            0, _K, rank_body,
            tuple(jnp.zeros((nl,), jnp.int32) for _ in range(nchunk)),
            unroll=4)

        tv[pl.ds(_TPAD - 2 * nl, nl)] = inf16
        tv[pl.ds(_TPAD - nl, nl)] = inf16
        for c in range(nchunk):
            plsc.store_scatter(tv, [ranks[c]], w[c],
                               mask=(iota + c * nl) < _K)

        b0 = plsc.load_gather(bv, [jnp.zeros((nl,), jnp.int32)])
        carry = jnp.zeros((nl,), jnp.float32)
        for c in range(nchunk):
            sx = tv[pl.ds(c * nl, nl)]
            sxm1 = plsc.load_gather(
                tv, [jnp.maximum(iota + (c * nl - 1), 0)])
            s = slv[pl.ds(c * nl, nl)]
            dd = (sx - sxm1) * s
            cum = plsc.cumsum(dd) + carry
            shifted = jnp.take_along_axis(
                cum, jnp.maximum(iota - 1, 0), axis=0,
                mode="promise_in_bounds")
            beta = b0 + jnp.where(iota == 0, carry, shifted)
            av[pl.ds(c * nl, nl)] = beta - sxm1 * s
            carry = jnp.take_along_axis(
                cum, jnp.full((nl,), nl - 1, jnp.int32), axis=0,
                mode="promise_in_bounds")


        root = plsc.load_gather(tv, [iota * 8 + 7])

        nv = ncol // nl

        @plsc.parallel_loop(0, r_hi * nv, 1, unroll=8)
        def body(vi):
            r = vi // nv
            col = (vi - r * nv) * nl
            v = xv[r, pl.ds(col, nl)]
            bm1 = jnp.full((nl,), -1, jnp.int32)
            for step in (64, 32, 16, 8):
                idx = bm1 + step
                t_probe = jnp.take_along_axis(
                    root, jax.lax.shift_right_logical(idx, 3),
                    axis=0, mode="promise_in_bounds")
                bm1 = jnp.where(t_probe <= v, idx, bm1)
            for step in (4, 2, 1):
                idx = bm1 + step
                t_probe = plsc.load_gather(tv, [idx])
                bm1 = jnp.where(t_probe <= v, idx, bm1)
            b = bm1 + 1
            a = plsc.load_gather(av, [b])
            s = plsc.load_gather(slv, [b])
            yv[r, pl.ds(col, nl)] = jnp.clip(a + v * s, 0.0, 1.0)

        pltpu.sync_copy(yv.at[pl.ds(0, r_lo), :],
                        out_hbm.at[pl.ds(base, r_lo), :])

        @pl.when(is_hi)
        def _():
            pltpu.sync_copy(yv.at[pl.ds(r_lo, 8), :],
                            out_hbm.at[pl.ds(base + r_lo, 8), :])

    return pwl_map


def kernel(x, x_positions, slopes, biases):
    nrow = x.shape[0] * x.shape[1] * x.shape[2]
    x2d = x.reshape(nrow, x.shape[3])
    y2d = _make_pwl_map(nrow, x.shape[3])(
        x2d, x_positions[0], slopes[0], biases)
    return (y2d.reshape(x.shape),)

# --- scband reference (transcript-rebuilt; emitter-appended) ---
"""Pipeline reference for scband-pwltone-mapping-86732569575706 (READ-ONLY COPY).

The authoritative reference and input builder live on the scoring server;
editing this copy changes nothing except your own understanding.
"""

import jax, jax.numpy as jnp
import numpy as np

NUM_BREAKPOINTS = 100
NUM_CHANNELS = 1  # torchpwl PWL(num_channels=1, ...)


def setup_inputs(seed: int = 0) -> dict:
    key = jax.random.key(seed)
    k1, k2, k3, k4 = jax.random.split(key, 4)
    # tone-mapping input image in [0, 1]
    x = jax.random.uniform(k1, (1, 3, 384, 384), dtype=jnp.float32)
    # torchpwl.PWL params: x_positions ~ N(0, 2), slopes init ~1, biases init 0
    x_positions = jax.random.normal(k2, (NUM_CHANNELS, NUM_BREAKPOINTS), dtype=jnp.float32) * 2.0
    slopes = jnp.ones((NUM_CHANNELS, NUM_BREAKPOINTS + 1), dtype=jnp.float32) + 0.1 * jax.random.normal(k3, (NUM_CHANNELS, NUM_BREAKPOINTS + 1), dtype=jnp.float32)
    biases = 0.1 * jax.random.normal(k4, (NUM_CHANNELS,), dtype=jnp.float32)
    return {"x": x, "x_positions": x_positions, "slopes": slopes, "biases": biases}


def _pwl(x2d, x_positions, slopes, biases):
    # Faithful port of torchpwl.BaseSlopedPWL.forward
    # x2d: [N, C], x_positions: [C, K], slopes: [C, K+1], biases: [C]
    n = x2d.shape[0]
    sorted_x = jnp.sort(x_positions, axis=1)                      # [C, K]
    skips = jnp.roll(sorted_x, shift=-1, axis=1) - sorted_x       # [C, K]
    skip_deltas = skips * slopes[:, 1:]                           # [C, K]
    b = biases[:, None]                                           # [C, 1]
    cumsums = jnp.cumsum(skip_deltas, axis=1)[:, :-1]             # [C, K-1]
    betas = jnp.concatenate([b, b, cumsums + b], axis=1)          # [C, K+1]
    breakpoints = jnp.concatenate([sorted_x[:, :1], sorted_x], axis=1)  # [C, K+1]
    # find first breakpoint smaller than x
    s = x2d[:, :, None] - sorted_x[None, :, :]                    # [N, C, K]
    s = jnp.where(s < 0, jnp.inf, s)
    b_ids = jnp.where(
        sorted_x[None, :, 0] <= x2d,
        jnp.argmin(s, axis=2) + 1,
        0,
    )                                                             # [N, C] in [0, K]

    def gather(tbl):
        t = jnp.broadcast_to(tbl[None], (n,) + tbl.shape)
        return jnp.take_along_axis(t, b_ids[:, :, None], axis=2)[:, :, 0]

    sel_betas = gather(betas)
    sel_breakpoints = gather(breakpoints)
    sel_slopes = gather(slopes)
    return sel_betas + (x2d - sel_breakpoints) * sel_slopes


def reference(x, x_positions, slopes, biases):
    bs = x.shape[0]
    x_flatten = x.reshape(bs, -1).T                               # [N, B]
    y_flatten = jnp.clip(_pwl(x_flatten, x_positions, slopes, biases), 0.0, 1.0)
    out = y_flatten.reshape(x.shape)
    return (out,)

if __name__ == "__main__":
    import jax
    _d = setup_inputs()
    print(jax.jit(kernel)(*tuple(_d.values())))

</pallas_src>

<mosaic_0001>
#map = affine_map<(d0, d1) -> (0, 0)>
#map1 = affine_map<(d0, d1) -> (0)>
module attributes {stable_mosaic.version = 14 : i64} {
  func.func @pwl_map(%arg0: i32, %arg1: i32, %arg2: memref<1152x384xf32, #tpu.memory_space<hbm>>, %arg3: memref<100xf32, #tpu.memory_space<hbm>>, %arg4: memref<101xf32, #tpu.memory_space<hbm>>, %arg5: memref<1xf32, #tpu.memory_space<hbm>>, %arg6: memref<1152x384xf32, #tpu.memory_space<hbm>>, %arg7: memref<40x384xf32, #tpu.memory_space<vmem>>, %arg8: memref<40x384xf32, #tpu.memory_space<vmem>>, %arg9: memref<112xf32, #tpu.memory_space<vmem>>, %arg10: memref<128xf32, #tpu.memory_space<vmem>>, %arg11: memref<128xf32, #tpu.memory_space<vmem>>, %arg12: memref<128xf32, #tpu.memory_space<vmem>>, %arg13: memref<16xf32, #tpu.memory_space<vmem>>) attributes {dimension_semantics = [#tpu.dimension_semantics<core_parallel>, #tpu.dimension_semantics<subcore_parallel>], iteration_bounds = array<i64: 2, 16>, scalar_prefetch = 0 : i64, scratch_operands = 7 : i64, tpu.core_type = #tpu.core_type<sc_vector_subcore>, window_params = [{transform_indices = #map}, {transform_indices = #map1}, {transform_indices = #map1}, {transform_indices = #map1}, {transform_indices = #map}]} {
    %mul3A = arith.constant 2 : i32
    %mul3A_0 = arith.muli %arg1, %mul3A : i32
    %add3A = arith.addi %mul3A_0, %arg0 : i32
    %lt3A = arith.constant 16 : i32
    %lt3A_1 = arith.cmpi slt, %add3A, %lt3A : i32
    %mul3A_2 = arith.constant 40 : i32
    %mul3A_3 = arith.muli %add3A, %mul3A_2 : i32
    %mul3A_4 = arith.constant 32 : i32
    %mul3A_5 = arith.muli %add3A, %mul3A_4 : i32
    %add3A_6 = arith.constant 128 : i32
    %add3A_7 = arith.addi %add3A_6, %mul3A_5 : i32
    %select_n3A = arith.select %lt3A_1, %mul3A_3, %add3A_7 : i32
    "tpu.region"() ({
      %run_scoped3A = tpu.sem_alloc : memref<!tpu.dma_semaphore, #tpu.memory_space<semaphore_mem>>
      %dma_start3A = arith.constant 0 : i32
      %dma_start3A_378 = tpu.memref_slice %arg9[%dma_start3A] : memref<112xf32, #tpu.memory_space<vmem>> -> memref<100xf32, #tpu.memory_space<vmem>>
      %dma_start3A_379 = arith.constant 0 : i32
      %dma_start3A_380 = tpu.memref_slice %arg9[%dma_start3A_379] : memref<112xf32, #tpu.memory_space<vmem>> -> memref<100xf32, #tpu.memory_space<vmem>>
      tpu.enqueue_dma source(%arg3 : memref<100xf32, #tpu.memory_space<hbm>>) target(%dma_start3A_380 : memref<100xf32, #tpu.memory_space<vmem>>) target_semaphore(%run_scoped3A : memref<!tpu.dma_semaphore, #tpu.memory_space<semaphore_mem>>)
      %dma_wait3A = arith.constant 0 : i32
      %dma_wait3A_381 = tpu.memref_slice %arg9[%dma_wait3A] : memref<112xf32, #tpu.memory_space<vmem>> -> memref<100xf32, #tpu.memory_space<vmem>>
      %dma_wait3A_382 = arith.constant 0 : i32
      %dma_wait3A_383 = tpu.memref_slice %arg9[%dma_wait3A_382] : memref<112xf32, #tpu.memory_space<vmem>> -> memref<100xf32, #tpu.memory_space<vmem>>
      tpu.wait_dma2 semaphore(%run_scoped3A : memref<!tpu.dma_semaphore, #tpu.memory_space<semaphore_mem>>) src(%arg3 : memref<100xf32, #tpu.memory_space<hbm>>) dst(%dma_wait3A_383 : memref<100xf32, #tpu.memory_space<vmem>>)
      tpu.yield
    }) : () -> ()
    "tpu.region"() ({
      %run_scoped3A = tpu.sem_alloc : memref<!tpu.dma_semaphore, #tpu.memory_space<semaphore_mem>>
      %dma_start3A = arith.constant 0 : i32
      %dma_start3A_378 = tpu.memref_slice %arg12[%dma_start3A] : memref<128xf32, #tpu.memory_space<vmem>> -> memref<101xf32, #tpu.memory_space<vmem>>
      %dma_start3A_379 = arith.constant 0 : i32
      %dma_start3A_380 = tpu.memref_slice %arg12[%dma_start3A_379] : memref<128xf32, #tpu.memory_space<vmem>> -> memref<101xf32, #tpu.memory_space<vmem>>
      tpu.enqueue_dma source(%arg4 : memref<101xf32, #tpu.memory_space<hbm>>) target(%dma_start3A_380 : memref<101xf32, #tpu.memory_space<vmem>>) target_semaphore(%run_scoped3A : memref<!tpu.dma_semaphore, #tpu.memory_space<semaphore_mem>>)
      %dma_wait3A = arith.constant 0 : i32
      %dma_wait3A_381 = tpu.memref_slice %arg12[%dma_wait3A] : memref<128xf32, #tpu.memory_space<vmem>> -> memref<101xf32, #tpu.memory_space<vmem>>
      %dma_wait3A_382 = arith.constant 0 : i32
      %dma_wait3A_383 = tpu.memref_slice %arg12[%dma_wait3A_382] : memref<128xf32, #tpu.memory_space<vmem>> -> memref<101xf32, #tpu.memory_space<vmem>>
      tpu.wait_dma2 semaphore(%run_scoped3A : memref<!tpu.dma_semaphore, #tpu.memory_space<semaphore_mem>>) src(%arg4 : memref<101xf32, #tpu.memory_space<hbm>>) dst(%dma_wait3A_383 : memref<101xf32, #tpu.memory_space<vmem>>)
      tpu.yield
    }) : () -> ()
    "tpu.region"() ({
      %run_scoped3A = tpu.sem_alloc : memref<!tpu.dma_semaphore, #tpu.memory_space<semaphore_mem>>
      %dma_start3A = arith.constant 0 : i32
      %dma_start3A_378 = tpu.memref_slice %arg13[%dma_start3A] : memref<16xf32, #tpu.memory_space<vmem>> -> memref<1xf32, #tpu.memory_space<vmem>>
      %dma_start3A_379 = arith.constant 0 : i32
      %dma_start3A_380 = tpu.memref_slice %arg13[%dma_start3A_379] : memref<16xf32, #tpu.memory_space<vmem>> -> memref<1xf32, #tpu.memory_space<vmem>>
      tpu.enqueue_dma source(%arg5 : memref<1xf32, #tpu.memory_space<hbm>>) target(%dma_start3A_380 : memref<1xf32, #tpu.memory_space<vmem>>) target_semaphore(%run_scoped3A : memref<!tpu.dma_semaphore, #tpu.memory_space<semaphore_mem>>)
      %dma_wait3A = arith.constant 0 : i32
      %dma_wait3A_381 = tpu.memref_slice %arg13[%dma_wait3A] : memref<16xf32, #tpu.memory_space<vmem>> -> memref<1xf32, #tpu.memory_space<vmem>>
      %dma_wait3A_382 = arith.constant 0 : i32
      %dma_wait3A_383 = tpu.memref_slice %arg13[%dma_wait3A_382] : memref<16xf32, #tpu.memory_space<vmem>> -> memref<1xf32, #tpu.memory_space<vmem>>
      tpu.wait_dma2 semaphore(%run_scoped3A : memref<!tpu.dma_semaphore, #tpu.memory_space<semaphore_mem>>) src(%arg5 : memref<1xf32, #tpu.memory_space<hbm>>) dst(%dma_wait3A_383 : memref<1xf32, #tpu.memory_space<vmem>>)
      tpu.yield
    }) : () -> ()
    "tpu.region"() ({
      %run_scoped3A = tpu.sem_alloc : memref<!tpu.dma_semaphore, #tpu.memory_space<semaphore_mem>>
      %dma_start3A = arith.constant 0 : i32
      %dma_start3A_378 = arith.constant 0 : i32
      %dma_start3A_379 = tpu.memref_slice %arg7[%dma_start3A, %dma_start3A_378] : memref<40x384xf32, #tpu.memory_space<vmem>> -> memref<32x384xf32, #tpu.memory_space<vmem>>
      %dma_start3A_380 = arith.constant 0 : i32
      %dma_start3A_381 = tpu.memref_slice %arg2[%select_n3A, %dma_start3A_380] : memref<1152x384xf32, #tpu.memory_space<hbm>> -> memref<32x384xf32, #tpu.memory_space<hbm>>
      %dma_start3A_382 = arith.constant 0 : i32
      %dma_start3A_383 = arith.constant 0 : i32
      %dma_start3A_384 = tpu.memref_slice %arg7[%dma_start3A_382, %dma_start3A_383] : memref<40x384xf32, #tpu.memory_space<vmem>> -> memref<32x384xf32, #tpu.memory_space<vmem>>
      %dma_start3A_385 = arith.constant 0 : i32
      %dma_start3A_386 = tpu.memref_slice %arg2[%select_n3A, %dma_start3A_385] : memref<1152x384xf32, #tpu.memory_space<hbm>> -> memref<32x384xf32, #tpu.memory_space<hbm>>
      tpu.enqueue_dma source(%dma_start3A_386 : memref<32x384xf32, #tpu.memory_space<hbm>>) target(%dma_start3A_384 : memref<32x384xf32, #tpu.memory_space<vmem>>) target_semaphore(%run_scoped3A : memref<!tpu.dma_semaphore, #tpu.memory_space<semaphore_mem>>)
      %dma_wait3A = arith.constant 0 : i32
      %dma_wait3A_387 = arith.constant 0 : i32
      %dma_wait3A_388 = tpu.memref_slice %arg7[%dma_wait3A, %dma_wait3A_387] : memref<40x384xf32, #tpu.memory_space<vmem>> -> memref<32x384xf32, #tpu.memory_space<vmem>>
      %dma_wait3A_389 = arith.constant 0 : i32
      %dma_wait3A_390 = tpu.memref_slice %arg2[%select_n3A, %dma_wait3A_389] : memref<1152x384xf32, #tpu.memory_space<hbm>> -> memref<32x384xf32, #tpu.memory_space<hbm>>
      %dma_wait3A_391 = arith.constant 0 : i32
      %dma_wait3A_392 = arith.constant 0 : i32
      %dma_wait3A_393 = tpu.memref_slice %arg7[%dma_wait3A_391, %dma_wait3A_392] : memref<40x384xf32, #tpu.memory_space<vmem>> -> memref<32x384xf32, #tpu.memory_space<vmem>>
      %dma_wait3A_394 = arith.constant 0 : i32
      %dma_wait3A_395 = tpu.memref_slice %arg2[%select_n3A, %dma_wait3A_394] : memref<1152x384xf32, #tpu.memory_space<hbm>> -> memref<32x384xf32, #tpu.memory_space<hbm>>
      tpu.wait_dma2 semaphore(%run_scoped3A : memref<!tpu.dma_semaphore, #tpu.memory_space<semaphore_mem>>) src(%dma_wait3A_395 : memref<32x384xf32, #tpu.memory_space<hbm>>) dst(%dma_wait3A_393 : memref<32x384xf32, #tpu.memory_space<vmem>>)
      tpu.yield
    }) : () -> ()
    %convert_element_type3A = arith.extui %lt3A_1 : i1 to i32
    %cond3A = arith.constant 0 : i32
    %cond3A_8 = arith.cmpi ne, %convert_element_type3A, %cond3A : i32
    scf.if %cond3A_8 {
      %add3A_378 = arith.constant 32 : i32
      %add3A_379 = arith.addi %select_n3A, %add3A_378 : i32
      "tpu.region"() ({
        %run_scoped3A = tpu.sem_alloc : memref<!tpu.dma_semaphore, #tpu.memory_space<semaphore_mem>>
        %dma_start3A = arith.constant 32 : i32
        %dma_start3A_380 = arith.constant 0 : i32
        %dma_start3A_381 = tpu.memref_slice %arg7[%dma_start3A, %dma_start3A_380] : memref<40x384xf32, #tpu.memory_space<vmem>> -> memref<8x384xf32, #tpu.memory_space<vmem>>
        %dma_start3A_382 = arith.constant 0 : i32
        %dma_start3A_383 = tpu.memref_slice %arg2[%add3A_379, %dma_start3A_382] : memref<1152x384xf32, #tpu.memory_space<hbm>> -> memref<8x384xf32, #tpu.memory_space<hbm>>
        %dma_start3A_384 = arith.constant 32 : i32
        %dma_start3A_385 = arith.constant 0 : i32
        %dma_start3A_386 = tpu.memref_slice %arg7[%dma_start3A_384, %dma_start3A_385] : memref<40x384xf32, #tpu.memory_space<vmem>> -> memref<8x384xf32, #tpu.memory_space<vmem>>
        %dma_start3A_387 = arith.constant 0 : i32
        %dma_start3A_388 = tpu.memref_slice %arg2[%add3A_379, %dma_start3A_387] : memref<1152x384xf32, #tpu.memory_space<hbm>> -> memref<8x384xf32, #tpu.memory_space<hbm>>
        tpu.enqueue_dma source(%dma_start3A_388 : memref<8x384xf32, #tpu.memory_space<hbm>>) target(%dma_start3A_386 : memref<8x384xf32, #tpu.memory_space<vmem>>) target_semaphore(%run_scoped3A : memref<!tpu.dma_semaphore, #tpu.memory_space<semaphore_mem>>)
        %dma_wait3A = arith.constant 32 : i32
        %dma_wait3A_389 = arith.constant 0 : i32
        %dma_wait3A_390 = tpu.memref_slice %arg7[%dma_wait3A, %dma_wait3A_389] : memref<40x384xf32, #tpu.memory_space<vmem>> -> memref<8x384xf32, #tpu.memory_space<vmem>>
        %dma_wait3A_391 = arith.constant 0 : i32
        %dma_wait3A_392 = tpu.memref_slice %arg2[%add3A_379, %dma_wait3A_391] : memref<1152x384xf32, #tpu.memory_space<hbm>> -> memref<8x384xf32, #tpu.memory_space<hbm>>
        %dma_wait3A_393 = arith.constant 32 : i32
        %dma_wait3A_394 = arith.constant 0 : i32
        %dma_wait3A_395 = tpu.memref_slice %arg7[%dma_wait3A_393, %dma_wait3A_394] : memref<40x384xf32, #tpu.memory_space<vmem>> -> memref<8x384xf32, #tpu.memory_space<vmem>>
        %dma_wait3A_396 = arith.constant 0 : i32
        %dma_wait3A_397 = tpu.memref_slice %arg2[%add3A_379, %dma_wait3A_396] : memref<1152x384xf32, #tpu.memory_space<hbm>> -> memref<8x384xf32, #tpu.memory_space<hbm>>
        tpu.wait_dma2 semaphore(%run_scoped3A : memref<!tpu.dma_semaphore, #tpu.memory_space<semaphore_mem>>) src(%dma_wait3A_397 : memref<8x384xf32, #tpu.memory_space<hbm>>) dst(%dma_wait3A_395 : memref<8x384xf32, #tpu.memory_space<vmem>>)
        tpu.yield
      }) : () -> ()
    } else {
    }
    %iota3A = tpu.iota {dimensions = array<i32: 0>} : vector<16xi32>
    %broadcast_in_dim3A = arith.constant 0x7F800000 : f32
    %broadcast_in_dim3A_9 = vector.broadcast %broadcast_in_dim3A : f32 to vector<16xf32>
    %get3A = arith.constant 0 : index
    %get3A_10 = tpu.vector_load %arg9[%get3A] {strides = array<i32>} : memref<112xf32, #tpu.memory_space<vmem>>, vector<16xf32>,
    %get3A_11 = arith.constant 16 : index
    %get3A_12 = tpu.vector_load %arg9[%get3A_11] {strides = array<i32>} : memref<112xf32, #tpu.memory_space<vmem>>, vector<16xf32>,
    %get3A_13 = arith.constant 32 : index
    %get3A_14 = tpu.vector_load %arg9[%get3A_13] {strides = array<i32>} : memref<112xf32, #tpu.memory_space<vmem>>, vector<16xf32>,
    %get3A_15 = arith.constant 48 : index
    %get3A_16 = tpu.vector_load %arg9[%get3A_15] {strides = array<i32>} : memref<112xf32, #tpu.memory_space<vmem>>, vector<16xf32>,
    %get3A_17 = arith.constant 64 : index
    %get3A_18 = tpu.vector_load %arg9[%get3A_17] {strides = array<i32>} : memref<112xf32, #tpu.memory_space<vmem>>, vector<16xf32>,
    %get3A_19 = arith.constant 80 : index
    %get3A_20 = tpu.vector_load %arg9[%get3A_19] {strides = array<i32>} : memref<112xf32, #tpu.memory_space<vmem>>, vector<16xf32>,
    %get3A_21 = arith.constant 96 : index
    %get3A_22 = tpu.vector_load %arg9[%get3A_21] {strides = array<i32>} : memref<112xf32, #tpu.memory_space<vmem>>, vector<16xf32>,
    %broadcast_in_dim3A_23 = arith.constant 0 : i32
    %broadcast_in_dim3A_24 = vector.broadcast %broadcast_in_dim3A_23 : i32 to vector<16xi32>
    %broadcast_in_dim3A_25 = arith.constant 0 : i32
    %broadcast_in_dim3A_26 = vector.broadcast %broadcast_in_dim3A_25 : i32 to vector<16xi32>
    %broadcast_in_dim3A_27 = arith.constant 0 : i32
    %broadcast_in_dim3A_28 = vector.broadcast %broadcast_in_dim3A_27 : i32 to vector<16xi32>
    %broadcast_in_dim3A_29 = arith.constant 0 : i32
    %broadcast_in_dim3A_30 = vector.broadcast %broadcast_in_dim3A_29 : i32 to vector<16xi32>
    %broadcast_in_dim3A_31 = arith.constant 0 : i32
    %broadcast_in_dim3A_32 = vector.broadcast %broadcast_in_dim3A_31 : i32 to vector<16xi32>
    %broadcast_in_dim3A_33 = arith.constant 0 : i32
    %broadcast_in_dim3A_34 = vector.broadcast %broadcast_in_dim3A_33 : i32 to vector<16xi32>
    %broadcast_in_dim3A_35 = arith.constant 0 : i32
    %broadcast_in_dim3A_36 = vector.broadcast %broadcast_in_dim3A_35 : i32 to vector<16xi32>
    %scan3A = arith.constant 0 : i32
    %scan3A_37 = arith.constant 100 : i32
    %scan3A_38 = arith.addi %scan3A, %scan3A_37 : i32
    %scan3A_39 = arith.constant 4 : i32
    %scan3A_40:7 = scf.for %scan3A_378 = %scan3A to %scan3A_38 step %scan3A_39 iter_args(%scan3A_379 = %broadcast_in_dim3A_24, %scan3A_380 = %broadcast_in_dim3A_26, %scan3A_381 = %broadcast_in_dim3A_28, %scan3A_382 = %broadcast_in_dim3A_30, %scan3A_383 = %broadcast_in_dim3A_32, %scan3A_384 = %broadcast_in_dim3A_34, %scan3A_385 = %broadcast_in_dim3A_36) -> (vector<16xi32>, vector<16xi32>, vector<16xi32>, vector<16xi32>, vector<16xi32>, vector<16xi32>, vector<16xi32>)  : i32 {
      %broadcast_in_dim3A_386 = vector.broadcast %scan3A_378 : i32 to vector<16xi32>
      %gather3A_387 = tpu.vector_load_idx %arg9[%broadcast_in_dim3A_386] : memref<112xf32, #tpu.memory_space<vmem>>[vector<16xi32>], vector<16xf32>,
      %lt3A_388 = arith.cmpf olt, %gather3A_387, %get3A_10 : vector<16xf32>
      %eq3A_389 = arith.cmpf oeq, %gather3A_387, %get3A_10 : vector<16xf32>
      %add3A_390 = arith.constant 0 : i32
      %add3A_391 = vector.broadcast %add3A_390 : i32 to vector<16xi32>
      %add3A_392 = arith.addi %iota3A, %add3A_391 : vector<16xi32>
      %lt3A_393 = vector.broadcast %scan3A_378 : i32 to vector<16xi32>
      %lt3A_394 = arith.cmpi slt, %lt3A_393, %add3A_392 : vector<16xi32>
      %and3A = arith.andi %eq3A_389, %lt3A_394 : vector<16xi1>
      %or3A = arith.ori %lt3A_388, %and3A : vector<16xi1>
      %jit3A = arith.constant 1 : i32
      %jit3A_395 = arith.constant 0 : i32
      %broadcast_in_dim3A_396 = vector.broadcast %jit3A : i32 to vector<16xi32>
      %broadcast_in_dim3A_397 = vector.broadcast %jit3A_395 : i32 to vector<16xi32>
      %select_n3A_398 = arith.select %or3A, %broadcast_in_dim3A_396, %broadcast_in_dim3A_397 : vector<16xi1>, vector<16xi32>
      %add3A_399 = arith.addi %scan3A_379, %select_n3A_398 : vector<16xi32>
      %lt3A_400 = arith.cmpf olt, %gather3A_387, %get3A_12 : vector<16xf32>
      %eq3A_401 = arith.cmpf oeq, %gather3A_387, %get3A_12 : vector<16xf32>
      %add3A_402 = arith.constant 16 : i32
      %add3A_403 = vector.broadcast %add3A_402 : i32 to vector<16xi32>
      %add3A_404 = arith.addi %iota3A, %add3A_403 : vector<16xi32>
      %lt3A_405 = vector.broadcast %scan3A_378 : i32 to vector<16xi32>
      %lt3A_406 = arith.cmpi slt, %lt3A_405, %add3A_404 : vector<16xi32>
      %and3A_407 = arith.andi %eq3A_401, %lt3A_406 : vector<16xi1>
      %or3A_408 = arith.ori %lt3A_400, %and3A_407 : vector<16xi1>
      %jit3A_409 = arith.constant 1 : i32
      %jit3A_410 = arith.constant 0 : i32
      %broadcast_in_dim3A_411 = vector.broadcast %jit3A_409 : i32 to vector<16xi32>
      %broadcast_in_dim3A_412 = vector.broadcast %jit3A_410 : i32 to vector<16xi32>
      %select_n3A_413 = arith.select %or3A_408, %broadcast_in_dim3A_411, %broadcast_in_dim3A_412 : vector<16xi1>, vector<16xi32>
      %add3A_414 = arith.addi %scan3A_380, %select_n3A_413 : vector<16xi32>
      %lt3A_415 = arith.cmpf olt, %gather3A_387, %get3A_14 : vector<16xf32>
      %eq3A_416 = arith.cmpf oeq, %gather3A_387, %get3A_14 : vector<16xf32>
      %add3A_417 = arith.constant 32 : i32
      %add3A_418 = vector.broadcast %add3A_417 : i32 to vector<16xi32>
      %add3A_419 = arith.addi %iota3A, %add3A_418 : vector<16xi32>
      %lt3A_420 = vector.broadcast %scan3A_378 : i32 to vector<16xi32>
      %lt3A_421 = arith.cmpi slt, %lt3A_420, %add3A_419 : vector<16xi32>
      %and3A_422 = arith.andi %eq3A_416, %lt3A_421 : vector<16xi1>
      %or3A_423 = arith.ori %lt3A_415, %and3A_422 : vector<16xi1>
      %jit3A_424 = arith.constant 1 : i32
      %jit3A_425 = arith.constant 0 : i32
      %broadcast_in_dim3A_426 = vector.broadcast %jit3A_424 : i32 to vector<16xi32>
      %broadcast_in_dim3A_427 = vector.broadcast %jit3A_425 : i32 to vector<16xi32>
      %select_n3A_428 = arith.select %or3A_423, %broadcast_in_dim3A_426, %broadcast_in_dim3A_427 : vector<16xi1>, vector<16xi32>
      %add3A_429 = arith.addi %scan3A_381, %select_n3A_428 : vector<16xi32>
      %lt3A_430 = arith.cmpf olt, %gather3A_387, %get3A_16 : vector<16xf32>
      %eq3A_431 = arith.cmpf oeq, %gather3A_387, %get3A_16 : vector<16xf32>
      %add3A_432 = arith.constant 48 : i32
      %add3A_433 = vector.broadcast %add3A_432 : i32 to vector<16xi32>
      %add3A_434 = arith.addi %iota3A, %add3A_433 : vector<16xi32>
      %lt3A_435 = vector.broadcast %scan3A_378 : i32 to vector<16xi32>
      %lt3A_436 = arith.cmpi slt, %lt3A_435, %add3A_434 : vector<16xi32>
      %and3A_437 = arith.andi %eq3A_431, %lt3A_436 : vector<16xi1>
      %or3A_438 = arith.ori %lt3A_430, %and3A_437 : vector<16xi1>
      %jit3A_439 = arith.constant 1 : i32
      %jit3A_440 = arith.constant 0 : i32
      %broadcast_in_dim3A_441 = vector.broadcast %jit3A_439 : i32 to vector<16xi32>
      %broadcast_in_dim3A_442 = vector.broadcast %jit3A_440 : i32 to vector<16xi32>
      %select_n3A_443 = arith.select %or3A_438, %broadcast_in_dim3A_441, %broadcast_in_dim3A_442 : vector<16xi1>, vector<16xi32>
      %add3A_444 = arith.addi %scan3A_382, %select_n3A_443 : vector<16xi32>
      %lt3A_445 = arith.cmpf olt, %gather3A_387, %get3A_18 : vector<16xf32>
      %eq3A_446 = arith.cmpf oeq, %gather3A_387, %get3A_18 : vector<16xf32>
      %add3A_447 = arith.constant 64 : i32
      %add3A_448 = vector.broadcast %add3A_447 : i32 to vector<16xi32>
      %add3A_449 = arith.addi %iota3A, %add3A_448 : vector<16xi32>
      %lt3A_450 = vector.broadcast %scan3A_378 : i32 to vector<16xi32>
      %lt3A_451 = arith.cmpi slt, %lt3A_450, %add3A_449 : vector<16xi32>
      %and3A_452 = arith.andi %eq3A_446, %lt3A_451 : vector<16xi1>
      %or3A_453 = arith.ori %lt3A_445, %and3A_452 : vector<16xi1>
      %jit3A_454 = arith.constant 1 : i32
      %jit3A_455 = arith.constant 0 : i32
      %broadcast_in_dim3A_456 = vector.broadcast %jit3A_454 : i32 to vector<16xi32>
      %broadcast_in_dim3A_457 = vector.broadcast %jit3A_455 : i32 to vector<16xi32>
      %select_n3A_458 = arith.select %or3A_453, %broadcast_in_dim3A_456, %broadcast_in_dim3A_457 : vector<16xi1>, vector<16xi32>
      %add3A_459 = arith.addi %scan3A_383, %select_n3A_458 : vector<16xi32>
      %lt3A_460 = arith.cmpf olt, %gather3A_387, %get3A_20 : vector<16xf32>
      %eq3A_461 = arith.cmpf oeq, %gather3A_387, %get3A_20 : vector<16xf32>
      %add3A_462 = arith.constant 80 : i32
      %add3A_463 = vector.broadcast %add3A_462 : i32 to vector<16xi32>
      %add3A_464 = arith.addi %iota3A, %add3A_463 : vector<16xi32>
      %lt3A_465 = vector.broadcast %scan3A_378 : i32 to vector<16xi32>
      %lt3A_466 = arith.cmpi slt, %lt3A_465, %add3A_464 : vector<16xi32>
      %and3A_467 = arith.andi %eq3A_461, %lt3A_466 : vector<16xi1>
      %or3A_468 = arith.ori %lt3A_460, %and3A_467 : vector<16xi1>
      %jit3A_469 = arith.constant 1 : i32
      %jit3A_470 = arith.constant 0 : i32
      %broadcast_in_dim3A_471 = vector.broadcast %jit3A_469 : i32 to vector<16xi32>
      %broadcast_in_dim3A_472 = vector.broadcast %jit3A_470 : i32 to vector<16xi32>
      %select_n3A_473 = arith.select %or3A_468, %broadcast_in_dim3A_471, %broadcast_in_dim3A_472 : vector<16xi1>, vector<16xi32>
      %add3A_474 = arith.addi %scan3A_384, %select_n3A_473 : vector<16xi32>
      %lt3A_475 = arith.cmpf olt, %gather3A_387, %get3A_22 : vector<16xf32>
      %eq3A_476 = arith.cmpf oeq, %gather3A_387, %get3A_22 : vector<16xf32>
      %add3A_477 = arith.constant 96 : i32
      %add3A_478 = vector.broadcast %add3A_477 : i32 to vector<16xi32>
      %add3A_479 = arith.addi %iota3A, %add3A_478 : vector<16xi32>
      %lt3A_480 = vector.broadcast %scan3A_378 : i32 to vector<16xi32>
      %lt3A_481 = arith.cmpi slt, %lt3A_480, %add3A_479 : vector<16xi32>
      %and3A_482 = arith.andi %eq3A_476, %lt3A_481 : vector<16xi1>
      %or3A_483 = arith.ori %lt3A_475, %and3A_482 : vector<16xi1>
      %jit3A_484 = arith.constant 1 : i32
      %jit3A_485 = arith.constant 0 : i32
      %broadcast_in_dim3A_486 = vector.broadcast %jit3A_484 : i32 to vector<16xi32>
      %broadcast_in_dim3A_487 = vector.broadcast %jit3A_485 : i32 to vector<16xi32>
      %select_n3A_488 = arith.select %or3A_483, %broadcast_in_dim3A_486, %broadcast_in_dim3A_487 : vector<16xi1>, vector<16xi32>
      %add3A_489 = arith.addi %scan3A_385, %select_n3A_488 : vector<16xi32>
      %scan3A_490 = arith.constant 1 : i32
      %scan3A_491 = arith.addi %scan3A_378, %scan3A_490 : i32
      %broadcast_in_dim3A_492 = vector.broadcast %scan3A_491 : i32 to vector<16xi32>
      %gather3A_493 = tpu.vector_load_idx %arg9[%broadcast_in_dim3A_492] : memref<112xf32, #tpu.memory_space<vmem>>[vector<16xi32>], vector<16xf32>,
      %lt3A_494 = arith.cmpf olt, %gather3A_493, %get3A_10 : vector<16xf32>
      %eq3A_495 = arith.cmpf oeq, %gather3A_493, %get3A_10 : vector<16xf32>
      %add3A_496 = arith.constant 0 : i32
      %add3A_497 = vector.broadcast %add3A_496 : i32 to vector<16xi32>
      %add3A_498 = arith.addi %iota3A, %add3A_497 : vector<16xi32>
      %lt3A_499 = vector.broadcast %scan3A_491 : i32 to vector<16xi32>
      %lt3A_500 = arith.cmpi slt, %lt3A_499, %add3A_498 : vector<16xi32>
      %and3A_501 = arith.andi %eq3A_495, %lt3A_500 : vector<16xi1>
      %or3A_502 = arith.ori %lt3A_494, %and3A_501 : vector<16xi1>
      %jit3A_503 = arith.constant 1 : i32
      %jit3A_504 = arith.constant 0 : i32
      %broadcast_in_dim3A_505 = vector.broadcast %jit3A_503 : i32 to vector<16xi32>
      %broadcast_in_dim3A_506 = vector.broadcast %jit3A_504 : i32 to vector<16xi32>
      %select_n3A_507 = arith.select %or3A_502, %broadcast_in_dim3A_505, %broadcast_in_dim3A_506 : vector<16xi1>, vector<16xi32>
      %add3A_508 = arith.addi %add3A_399, %select_n3A_507 : vector<16xi32>
      %lt3A_509 = arith.cmpf olt, %gather3A_493, %get3A_12 : vector<16xf32>
      %eq3A_510 = arith.cmpf oeq, %gather3A_493, %get3A_12 : vector<16xf32>
      %add3A_511 = arith.constant 16 : i32
      %add3A_512 = vector.broadcast %add3A_511 : i32 to vector<16xi32>
      %add3A_513 = arith.addi %iota3A, %add3A_512 : vector<16xi32>
      %lt3A_514 = vector.broadcast %scan3A_491 : i32 to vector<16xi32>
      %lt3A_515 = arith.cmpi slt, %lt3A_514, %add3A_513 : vector<16xi32>
      %and3A_516 = arith.andi %eq3A_510, %lt3A_515 : vector<16xi1>
      %or3A_517 = arith.ori %lt3A_509, %and3A_516 : vector<16xi1>
      %jit3A_518 = arith.constant 1 : i32
      %jit3A_519 = arith.constant 0 : i32
      %broadcast_in_dim3A_520 = vector.broadcast %jit3A_518 : i32 to vector<16xi32>
      %broadcast_in_dim3A_521 = vector.broadcast %jit3A_519 : i32 to vector<16xi32>
      %select_n3A_522 = arith.select %or3A_517, %broadcast_in_dim3A_520, %broadcast_in_dim3A_521 : vector<16xi1>, vector<16xi32>
      %add3A_523 = arith.addi %add3A_414, %select_n3A_522 : vector<16xi32>
      %lt3A_524 = arith.cmpf olt, %gather3A_493, %get3A_14 : vector<16xf32>
      %eq3A_525 = arith.cmpf oeq, %gather3A_493, %get3A_14 : vector<16xf32>
      %add3A_526 = arith.constant 32 : i32
      %add3A_527 = vector.broadcast %add3A_526 : i32 to vector<16xi32>
      %add3A_528 = arith.addi %iota3A, %add3A_527 : vector<16xi32>
      %lt3A_529 = vector.broadcast %scan3A_491 : i32 to vector<16xi32>
      %lt3A_530 = arith.cmpi slt, %lt3A_529, %add3A_528 : vector<16xi32>
      %and3A_531 = arith.andi %eq3A_525, %lt3A_530 : vector<16xi1>
      %or3A_532 = arith.ori %lt3A_524, %and3A_531 : vector<16xi1>
      %jit3A_533 = arith.constant 1 : i32
      %jit3A_534 = arith.constant 0 : i32
      %broadcast_in_dim3A_535 = vector.broadcast %jit3A_533 : i32 to vector<16xi32>
      %broadcast_in_dim3A_536 = vector.broadcast %jit3A_534 : i32 to vector<16xi32>
      %select_n3A_537 = arith.select %or3A_532, %broadcast_in_dim3A_535, %broadcast_in_dim3A_536 : vector<16xi1>, vector<16xi32>
      %add3A_538 = arith.addi %add3A_429, %select_n3A_537 : vector<16xi32>
      %lt3A_539 = arith.cmpf olt, %gather3A_493, %get3A_16 : vector<16xf32>
      %eq3A_540 = arith.cmpf oeq, %gather3A_493, %get3A_16 : vector<16xf32>
      %add3A_541 = arith.constant 48 : i32
      %add3A_542 = vector.broadcast %add3A_541 : i32 to vector<16xi32>
      %add3A_543 = arith.addi %iota3A, %add3A_542 : vector<16xi32>
      %lt3A_544 = vector.broadcast %scan3A_491 : i32 to vector<16xi32>
      %lt3A_545 = arith.cmpi slt, %lt3A_544, %add3A_543 : vector<16xi32>
      %and3A_546 = arith.andi %eq3A_540, %lt3A_545 : vector<16xi1>
      %or3A_547 = arith.ori %lt3A_539, %and3A_546 : vector<16xi1>
      %jit3A_548 = arith.constant 1 : i32
      %jit3A_549 = arith.constant 0 : i32
      %broadcast_in_dim3A_550 = vector.broadcast %jit3A_548 : i32 to vector<16xi32>
      %broadcast_in_dim3A_551 = vector.broadcast %jit3A_549 : i32 to vector<16xi32>
      %select_n3A_552 = arith.select %or3A_547, %broadcast_in_dim3A_550, %broadcast_in_dim3A_551 : vector<16xi1>, vector<16xi32>
      %add3A_553 = arith.addi %add3A_444, %select_n3A_552 : vector<16xi32>
      %lt3A_554 = arith.cmpf olt, %gather3A_493, %get3A_18 : vector<16xf32>
      %eq3A_555 = arith.cmpf oeq, %gather3A_493, %get3A_18 : vector<16xf32>
      %add3A_556 = arith.constant 64 : i32
      %add3A_557 = vector.broadcast %add3A_556 : i32 to vector<16xi32>
      %add3A_558 = arith.addi %iota3A, %add3A_557 : vector<16xi32>
      %lt3A_559 = vector.broadcast %scan3A_491 : i32 to vector<16xi32>
      %lt3A_560 = arith.cmpi slt, %lt3A_559, %add3A_558 : vector<16xi32>
      %and3A_561 = arith.andi %eq3A_555, %lt3A_560 : vector<16xi1>
      %or3A_562 = arith.ori %lt3A_554, %and3A_561 : vector<16xi1>
      %jit3A_563 = arith.constant 1 : i32
      %jit3A_564 = arith.constant 0 : i32
      %broadcast_in_dim3A_565 = vector.broadcast %jit3A_563 : i32 to vector<16xi32>
      %broadcast_in_dim3A_566 = vector.broadcast %jit3A_564 : i32 to vector<16xi32>
      %select_n3A_567 = arith.select %or3A_562, %broadcast_in_dim3A_565, %broadcast_in_dim3A_566 : vector<16xi1>, vector<16xi32>
      %add3A_568 = arith.addi %add3A_459, %select_n3A_567 : vector<16xi32>
      %lt3A_569 = arith.cmpf olt, %gather3A_493, %get3A_20 : vector<16xf32>
      %eq3A_570 = arith.cmpf oeq, %gather3A_493, %get3A_20 : vector<16xf32>
      %add3A_571 = arith.constant 80 : i32
      %add3A_572 = vector.broadcast %add3A_571 : i32 to vector<16xi32>
      %add3A_573 = arith.addi %iota3A, %add3A_572 : vector<16xi32>
      %lt3A_574 = vector.broadcast %scan3A_491 : i32 to vector<16xi32>
      %lt3A_575 = arith.cmpi slt, %lt3A_574, %add3A_573 : vector<16xi32>
      %and3A_576 = arith.andi %eq3A_570, %lt3A_575 : vector<16xi1>
      %or3A_577 = arith.ori %lt3A_569, %and3A_576 : vector<16xi1>
      %jit3A_578 = arith.constant 1 : i32
      %jit3A_579 = arith.constant 0 : i32
      %broadcast_in_dim3A_580 = vector.broadcast %jit3A_578 : i32 to vector<16xi32>
      %broadcast_in_dim3A_581 = vector.broadcast %jit3A_579 : i32 to vector<16xi32>
      %select_n3A_582 = arith.select %or3A_577, %broadcast_in_dim3A_580, %broadcast_in_dim3A_581 : vector<16xi1>, vector<16xi32>
      %add3A_583 = arith.addi %add3A_474, %select_n3A_582 : vector<16xi32>
      %lt3A_584 = arith.cmpf olt, %gather3A_493, %get3A_22 : vector<16xf32>
      %eq3A_585 = arith.cmpf oeq, %gather3A_493, %get3A_22 : vector<16xf32>
      %add3A_586 = arith.constant 96 : i32
      %add3A_587 = vector.broadcast %add3A_586 : i32 to vector<16xi32>
      %add3A_588 = arith.addi %iota3A, %add3A_587 : vector<16xi32>
      %lt3A_589 = vector.broadcast %scan3A_491 : i32 to vector<16xi32>
      %lt3A_590 = arith.cmpi slt, %lt3A_589, %add3A_588 : vector<16xi32>
      %and3A_591 = arith.andi %eq3A_585, %lt3A_590 : vector<16xi1>
      %or3A_592 = arith.ori %lt3A_584, %and3A_591 : vector<16xi1>
      %jit3A_593 = arith.constant 1 : i32
      %jit3A_594 = arith.constant 0 : i32
      %broadcast_in_dim3A_595 = vector.broadcast %jit3A_593 : i32 to vector<16xi32>
      %broadcast_in_dim3A_596 = vector.broadcast %jit3A_594 : i32 to vector<16xi32>
      %select_n3A_597 = arith.select %or3A_592, %broadcast_in_dim3A_595, %broadcast_in_dim3A_596 : vector<16xi1>, vector<16xi32>
      %add3A_598 = arith.addi %add3A_489, %select_n3A_597 : vector<16xi32>
      %scan3A_599 = arith.constant 2 : i32
      %scan3A_600 = arith.addi %scan3A_378, %scan3A_599 : i32
      %broadcast_in_dim3A_601 = vector.broadcast %scan3A_600 : i32 to vector<16xi32>
      %gather3A_602 = tpu.vector_load_idx %arg9[%broadcast_in_dim3A_601] : memref<112xf32, #tpu.memory_space<vmem>>[vector<16xi32>], vector<16xf32>,
      %lt3A_603 = arith.cmpf olt, %gather3A_602, %get3A_10 : vector<16xf32>
      %eq3A_604 = arith.cmpf oeq, %gather3A_602, %get3A_10 : vector<16xf32>
      %add3A_605 = arith.constant 0 : i32
      %add3A_606 = vector.broadcast %add3A_605 : i32 to vector<16xi32>
      %add3A_607 = arith.addi %iota3A, %add3A_606 : vector<16xi32>
      %lt3A_608 = vector.broadcast %scan3A_600 : i32 to vector<16xi32>
      %lt3A_609 = arith.cmpi slt, %lt3A_608, %add3A_607 : vector<16xi32>
      %and3A_610 = arith.andi %eq3A_604, %lt3A_609 : vector<16xi1>
      %or3A_611 = arith.ori %lt3A_603, %and3A_610 : vector<16xi1>
      %jit3A_612 = arith.constant 1 : i32
      %jit3A_613 = arith.constant 0 : i32
      %broadcast_in_dim3A_614 = vector.broadcast %jit3A_612 : i32 to vector<16xi32>
      %broadcast_in_dim3A_615 = vector.broadcast %jit3A_613 : i32 to vector<16xi32>
      %select_n3A_616 = arith.select %or3A_611, %broadcast_in_dim3A_614, %broadcast_in_dim3A_615 : vector<16xi1>, vector<16xi32>
      %add3A_617 = arith.addi %add3A_508, %select_n3A_616 : vector<16xi32>
      %lt3A_618 = arith.cmpf olt, %gather3A_602, %get3A_12 : vector<16xf32>
      %eq3A_619 = arith.cmpf oeq, %gather3A_602, %get3A_12 : vector<16xf32>
      %add3A_620 = arith.constant 16 : i32
      %add3A_621 = vector.broadcast %add3A_620 : i32 to vector<16xi32>
      %add3A_622 = arith.addi %iota3A, %add3A_621 : vector<16xi32>
      %lt3A_623 = vector.broadcast %scan3A_600 : i32 to vector<16xi32>
      %lt3A_624 = arith.cmpi slt, %lt3A_623, %add3A_622 : vector<16xi32>
      %and3A_625 = arith.andi %eq3A_619, %lt3A_624 : vector<16xi1>
      %or3A_626 = arith.ori %lt3A_618, %and3A_625 : vector<16xi1>
      %jit3A_627 = arith.constant 1 : i32
      %jit3A_628 = arith.constant 0 : i32
      %broadcast_in_dim3A_629 = vector.broadcast %jit3A_627 : i32 to vector<16xi32>
      %broadcast_in_dim3A_630 = vector.broadcast %jit3A_628 : i32 to vector<16xi32>
      %select_n3A_631 = arith.select %or3A_626, %broadcast_in_dim3A_629, %broadcast_in_dim3A_630 : vector<16xi1>, vector<16xi32>
      %add3A_632 = arith.addi %add3A_523, %select_n3A_631 : vector<16xi32>
      %lt3A_633 = arith.cmpf olt, %gather3A_602, %get3A_14 : vector<16xf32>
      %eq3A_634 = arith.cmpf oeq, %gather3A_602, %get3A_14 : vector<16xf32>
      %add3A_635 = arith.constant 32 : i32
      %add3A_636 = vector.broadcast %add3A_635 : i32 to vector<16xi32>
      %add3A_637 = arith.addi %iota3A, %add3A_636 : vector<16xi32>
      %lt3A_638 = vector.broadcast %scan3A_600 : i32 to vector<16xi32>
      %lt3A_639 = arith.cmpi slt, %lt3A_638, %add3A_637 : vector<16xi32>
      %and3A_640 = arith.andi %eq3A_634, %lt3A_639 : vector<16xi1>
      %or3A_641 = arith.ori %lt3A_633, %and3A_640 : vector<16xi1>
      %jit3A_642 = arith.constant 1 : i32
      %jit3A_643 = arith.constant 0 : i32
      %broadcast_in_dim3A_644 = vector.broadcast %jit3A_642 : i32 to vector<16xi32>
      %broadcast_in_dim3A_645 = vector.broadcast %jit3A_643 : i32 to vector<16xi32>
      %select_n3A_646 = arith.select %or3A_641, %broadcast_in_dim3A_644, %broadcast_in_dim3A_645 : vector<16xi1>, vector<16xi32>
      %add3A_647 = arith.addi %add3A_538, %select_n3A_646 : vector<16xi32>
      %lt3A_648 = arith.cmpf olt, %gather3A_602, %get3A_16 : vector<16xf32>
      %eq3A_649 = arith.cmpf oeq, %gather3A_602, %get3A_16 : vector<16xf32>
      %add3A_650 = arith.constant 48 : i32
      %add3A_651 = vector.broadcast %add3A_650 : i32 to vector<16xi32>
      %add3A_652 = arith.addi %iota3A, %add3A_651 : vector<16xi32>
      %lt3A_653 = vector.broadcast %scan3A_600 : i32 to vector<16xi32>
      %lt3A_654 = arith.cmpi slt, %lt3A_653, %add3A_652 : vector<16xi32>
      %and3A_655 = arith.andi %eq3A_649, %lt3A_654 : vector<16xi1>
      %or3A_656 = arith.ori %lt3A_648, %and3A_655 : vector<16xi1>
      %jit3A_657 = arith.constant 1 : i32
      %jit3A_658 = arith.constant 0 : i32
      %broadcast_in_dim3A_659 = vector.broadcast %jit3A_657 : i32 to vector<16xi32>
      %broadcast_in_dim3A_660 = vector.broadcast %jit3A_658 : i32 to vector<16xi32>
      %select_n3A_661 = arith.select %or3A_656, %broadcast_in_dim3A_659, %broadcast_in_dim3A_660 : vector<16xi1>, vector<16xi32>
      %add3A_662 = arith.addi %add3A_553, %select_n3A_661 : vector<16xi32>
      %lt3A_663 = arith.cmpf olt, %gather3A_602, %get3A_18 : vector<16xf32>
      %eq3A_664 = arith.cmpf oeq, %gather3A_602, %get3A_18 : vector<16xf32>
      %add3A_665 = arith.constant 64 : i32
      %add3A_666 = vector.broadcast %add3A_665 : i32 to vector<16xi32>
      %add3A_667 = arith.addi %iota3A, %add3A_666 : vector<16xi32>
      %lt3A_668 = vector.broadcast %scan3A_600 : i32 to vector<16xi32>
      %lt3A_669 = arith.cmpi slt, %lt3A_668, %add3A_667 : vector<16xi32>
      %and3A_670 = arith.andi %eq3A_664, %lt3A_669 : vector<16xi1>
      %or3A_671 = arith.ori %lt3A_663, %and3A_670 : vector<16xi1>
      %jit3A_672 = arith.constant 1 : i32
      %jit3A_673 = arith.constant 0 : i32
      %broadcast_in_dim3A_674 = vector.broadcast %jit3A_672 : i32 to vector<16xi32>
      %broadcast_in_dim3A_675 = vector.broadcast %jit3A_673 : i32 to vector<16xi32>
      %select_n3A_676 = arith.select %or3A_671, %broadcast_in_dim3A_674, %broadcast_in_dim3A_675 : vector<16xi1>, vector<16xi32>
      %add3A_677 = arith.addi %add3A_568, %select_n3A_676 : vector<16xi32>
      %lt3A_678 = arith.cmpf olt, %gather3A_602, %get3A_20 : vector<16xf32>
      %eq3A_679 = arith.cmpf oeq, %gather3A_602, %get3A_20 : vector<16xf32>
      %add3A_680 = arith.constant 80 : i32
      %add3A_681 = vector.broadcast %add3A_680 : i32 to vector<16xi32>
      %add3A_682 = arith.addi %iota3A, %add3A_681 : vector<16xi32>
      %lt3A_683 = vector.broadcast %scan3A_600 : i32 to vector<16xi32>
      %lt3A_684 = arith.cmpi slt, %lt3A_683, %add3A_682 : vector<16xi32>
      %and3A_685 = arith.andi %eq3A_679, %lt3A_684 : vector<16xi1>
      %or3A_686 = arith.ori %lt3A_678, %and3A_685 : vector<16xi1>
      %jit3A_687 = arith.constant 1 : i32
      %jit3A_688 = arith.constant 0 : i32
      %broadcast_in_dim3A_689 = vector.broadcast %jit3A_687 : i32 to vector<16xi32>
      %broadcast_in_dim3A_690 = vector.broadcast %jit3A_688 : i32 to vector<16xi32>
      %select_n3A_691 = arith.select %or3A_686, %broadcast_in_dim3A_689, %broadcast_in_dim3A_690 : vector<16xi1>, vector<16xi32>
      %add3A_692 = arith.addi %add3A_583, %select_n3A_691 : vector<16xi32>
      %lt3A_693 = arith.cmpf olt, %gather3A_602, %get3A_22 : vector<16xf32>
      %eq3A_694 = arith.cmpf oeq, %gather3A_602, %get3A_22 : vector<16xf32>
      %add3A_695 = arith.constant 96 : i32
      %add3A_696 = vector.broadcast %add3A_695 : i32 to vector<16xi32>
      %add3A_697 = arith.addi %iota3A, %add3A_696 : vector<16xi32>
      %lt3A_698 = vector.broadcast %scan3A_600 : i32 to vector<16xi32>
      %lt3A_699 = arith.cmpi slt, %lt3A_698, %add3A_697 : vector<16xi32>
      %and3A_700 = arith.andi %eq3A_694, %lt3A_699 : vector<16xi1>
      %or3A_701 = arith.ori %lt3A_693, %and3A_700 : vector<16xi1>
      %jit3A_702 = arith.constant 1 : i32
      %jit3A_703 = arith.constant 0 : i32
      %broadcast_in_dim3A_704 = vector.broadcast %jit3A_702 : i32 to vector<16xi32>
      %broadcast_in_dim3A_705 = vector.broadcast %jit3A_703 : i32 to vector<16xi32>
      %select_n3A_706 = arith.select %or3A_701, %broadcast_in_dim3A_704, %broadcast_in_dim3A_705 : vector<16xi1>, vector<16xi32>
      %add3A_707 = arith.addi %add3A_598, %select_n3A_706 : vector<16xi32>
      %scan3A_708 = arith.constant 3 : i32
      %scan3A_709 = arith.addi %scan3A_378, %scan3A_708 : i32
      %broadcast_in_dim3A_710 = vector.broadcast %scan3A_709 : i32 to vector<16xi32>
      %gather3A_711 = tpu.vector_load_idx %arg9[%broadcast_in_dim3A_710] : memref<112xf32, #tpu.memory_space<vmem>>[vector<16xi32>], vector<16xf32>,
      %lt3A_712 = arith.cmpf olt, %gather3A_711, %get3A_10 : vector<16xf32>
      %eq3A_713 = arith.cmpf oeq, %gather3A_711, %get3A_10 : vector<16xf32>
      %add3A_714 = arith.constant 0 : i32
      %add3A_715 = vector.broadcast %add3A_714 : i32 to vector<16xi32>
      %add3A_716 = arith.addi %iota3A, %add3A_715 : vector<16xi32>
      %lt3A_717 = vector.broadcast %scan3A_709 : i32 to vector<16xi32>
      %lt3A_718 = arith.cmpi slt, %lt3A_717, %add3A_716 : vector<16xi32>
      %and3A_719 = arith.andi %eq3A_713, %lt3A_718 : vector<16xi1>
      %or3A_720 = arith.ori %lt3A_712, %and3A_719 : vector<16xi1>
      %jit3A_721 = arith.constant 1 : i32
      %jit3A_722 = arith.constant 0 : i32
      %broadcast_in_dim3A_723 = vector.broadcast %jit3A_721 : i32 to vector<16xi32>
      %broadcast_in_dim3A_724 = vector.broadcast %jit3A_722 : i32 to vector<16xi32>
      %select_n3A_725 = arith.select %or3A_720, %broadcast_in_dim3A_723, %broadcast_in_dim3A_724 : vector<16xi1>, vector<16xi32>
      %add3A_726 = arith.addi %add3A_617, %select_n3A_725 : vector<16xi32>
      %lt3A_727 = arith.cmpf olt, %gather3A_711, %get3A_12 : vector<16xf32>
      %eq3A_728 = arith.cmpf oeq, %gather3A_711, %get3A_12 : vector<16xf32>
      %add3A_729 = arith.constant 16 : i32
      %add3A_730 = vector.broadcast %add3A_729 : i32 to vector<16xi32>
      %add3A_731 = arith.addi %iota3A, %add3A_730 : vector<16xi32>
      %lt3A_732 = vector.broadcast %scan3A_709 : i32 to vector<16xi32>
      %lt3A_733 = arith.cmpi slt, %lt3A_732, %add3A_731 : vector<16xi32>
      %and3A_734 = arith.andi %eq3A_728, %lt3A_733 : vector<16xi1>
      %or3A_735 = arith.ori %lt3A_727, %and3A_734 : vector<16xi1>
      %jit3A_736 = arith.constant 1 : i32
      %jit3A_737 = arith.constant 0 : i32
      %broadcast_in_dim3A_738 = vector.broadcast %jit3A_736 : i32 to vector<16xi32>
      %broadcast_in_dim3A_739 = vector.broadcast %jit3A_737 : i32 to vector<16xi32>
      %select_n3A_740 = arith.select %or3A_735, %broadcast_in_dim3A_738, %broadcast_in_dim3A_739 : vector<16xi1>, vector<16xi32>
      %add3A_741 = arith.addi %add3A_632, %select_n3A_740 : vector<16xi32>
      %lt3A_742 = arith.cmpf olt, %gather3A_711, %get3A_14 : vector<16xf32>
      %eq3A_743 = arith.cmpf oeq, %gather3A_711, %get3A_14 : vector<16xf32>
      %add3A_744 = arith.constant 32 : i32
      %add3A_745 = vector.broadcast %add3A_744 : i32 to vector<16xi32>
      %add3A_746 = arith.addi %iota3A, %add3A_745 : vector<16xi32>
      %lt3A_747 = vector.broadcast %scan3A_709 : i32 to vector<16xi32>
      %lt3A_748 = arith.cmpi slt, %lt3A_747, %add3A_746 : vector<16xi32>
      %and3A_749 = arith.andi %eq3A_743, %lt3A_748 : vector<16xi1>
      %or3A_750 = arith.ori %lt3A_742, %and3A_749 : vector<16xi1>
      %jit3A_751 = arith.constant 1 : i32
      %jit3A_752 = arith.constant 0 : i32
      %broadcast_in_dim3A_753 = vector.broadcast %jit3A_751 : i32 to vector<16xi32>
      %broadcast_in_dim3A_754 = vector.broadcast %jit3A_752 : i32 to vector<16xi32>
      %select_n3A_755 = arith.select %or3A_750, %broadcast_in_dim3A_753, %broadcast_in_dim3A_754 : vector<16xi1>, vector<16xi32>
      %add3A_756 = arith.addi %add3A_647, %select_n3A_755 : vector<16xi32>
      %lt3A_757 = arith.cmpf olt, %gather3A_711, %get3A_16 : vector<16xf32>
      %eq3A_758 = arith.cmpf oeq, %gather3A_711, %get3A_16 : vector<16xf32>
      %add3A_759 = arith.constant 48 : i32
      %add3A_760 = vector.broadcast %add3A_759 : i32 to vector<16xi32>
      %add3A_761 = arith.addi %iota3A, %add3A_760 : vector<16xi32>
      %lt3A_762 = vector.broadcast %scan3A_709 : i32 to vector<16xi32>
      %lt3A_763 = arith.cmpi slt, %lt3A_762, %add3A_761 : vector<16xi32>
      %and3A_764 = arith.andi %eq3A_758, %lt3A_763 : vector<16xi1>
      %or3A_765 = arith.ori %lt3A_757, %and3A_764 : vector<16xi1>
      %jit3A_766 = arith.constant 1 : i32
      %jit3A_767 = arith.constant 0 : i32
      %broadcast_in_dim3A_768 = vector.broadcast %jit3A_766 : i32 to vector<16xi32>
      %broadcast_in_dim3A_769 = vector.broadcast %jit3A_767 : i32 to vector<16xi32>
      %select_n3A_770 = arith.select %or3A_765, %broadcast_in_dim3A_768, %broadcast_in_dim3A_769 : vector<16xi1>, vector<16xi32>
      %add3A_771 = arith.addi %add3A_662, %select_n3A_770 : vector<16xi32>
      %lt3A_772 = arith.cmpf olt, %gather3A_711, %get3A_18 : vector<16xf32>
      %eq3A_773 = arith.cmpf oeq, %gather3A_711, %get3A_18 : vector<16xf32>
      %add3A_774 = arith.constant 64 : i32
      %add3A_775 = vector.broadcast %add3A_774 : i32 to vector<16xi32>
      %add3A_776 = arith.addi %iota3A, %add3A_775 : vector<16xi32>
      %lt3A_777 = vector.broadcast %scan3A_709 : i32 to vector<16xi32>
      %lt3A_778 = arith.cmpi slt, %lt3A_777, %add3A_776 : vector<16xi32>
      %and3A_779 = arith.andi %eq3A_773, %lt3A_778 : vector<16xi1>
      %or3A_780 = arith.ori %lt3A_772, %and3A_779 : vector<16xi1>
      %jit3A_781 = arith.constant 1 : i32
      %jit3A_782 = arith.constant 0 : i32
      %broadcast_in_dim3A_783 = vector.broadcast %jit3A_781 : i32 to vector<16xi32>
      %broadcast_in_dim3A_784 = vector.broadcast %jit3A_782 : i32 to vector<16xi32>
      %select_n3A_785 = arith.select %or3A_780, %broadcast_in_dim3A_783, %broadcast_in_dim3A_784 : vector<16xi1>, vector<16xi32>
      %add3A_786 = arith.addi %add3A_677, %select_n3A_785 : vector<16xi32>
      %lt3A_787 = arith.cmpf olt, %gather3A_711, %get3A_20 : vector<16xf32>
      %eq3A_788 = arith.cmpf oeq, %gather3A_711, %get3A_20 : vector<16xf32>
      %add3A_789 = arith.constant 80 : i32
      %add3A_790 = vector.broadcast %add3A_789 : i32 to vector<16xi32>
      %add3A_791 = arith.addi %iota3A, %add3A_790 : vector<16xi32>
      %lt3A_792 = vector.broadcast %scan3A_709 : i32 to vector<16xi32>
      %lt3A_793 = arith.cmpi slt, %lt3A_792, %add3A_791 : vector<16xi32>
      %and3A_794 = arith.andi %eq3A_788, %lt3A_793 : vector<16xi1>
      %or3A_795 = arith.ori %lt3A_787, %and3A_794 : vector<16xi1>
      %jit3A_796 = arith.constant 1 : i32
      %jit3A_797 = arith.constant 0 : i32
      %broadcast_in_dim3A_798 = vector.broadcast %jit3A_796 : i32 to vector<16xi32>
      %broadcast_in_dim3A_799 = vector.broadcast %jit3A_797 : i32 to vector<16xi32>
      %select_n3A_800 = arith.select %or3A_795, %broadcast_in_dim3A_798, %broadcast_in_dim3A_799 : vector<16xi1>, vector<16xi32>
      %add3A_801 = arith.addi %add3A_692, %select_n3A_800 : vector<16xi32>
      %lt3A_802 = arith.cmpf olt, %gather3A_711, %get3A_22 : vector<16xf32>
      %eq3A_803 = arith.cmpf oeq, %gather3A_711, %get3A_22 : vector<16xf32>
      %add3A_804 = arith.constant 96 : i32
      %add3A_805 = vector.broadcast %add3A_804 : i32 to vector<16xi32>
      %add3A_806 = arith.addi %iota3A, %add3A_805 : vector<16xi32>
      %lt3A_807 = vector.broadcast %scan3A_709 : i32 to vector<16xi32>
      %lt3A_808 = arith.cmpi slt, %lt3A_807, %add3A_806 : vector<16xi32>
      %and3A_809 = arith.andi %eq3A_803, %lt3A_808 : vector<16xi1>
      %or3A_810 = arith.ori %lt3A_802, %and3A_809 : vector<16xi1>
      %jit3A_811 = arith.constant 1 : i32
      %jit3A_812 = arith.constant 0 : i32
      %broadcast_in_dim3A_813 = vector.broadcast %jit3A_811 : i32 to vector<16xi32>
      %broadcast_in_dim3A_814 = vector.broadcast %jit3A_812 : i32 to vector<16xi32>
      %select_n3A_815 = arith.select %or3A_810, %broadcast_in_dim3A_813, %broadcast_in_dim3A_814 : vector<16xi1>, vector<16xi32>
      %add3A_816 = arith.addi %add3A_707, %select_n3A_815 : vector<16xi32>
      scf.yield %add3A_726, %add3A_741, %add3A_756, %add3A_771, %add3A_786, %add3A_801, %add3A_816 : vector<16xi32>, vector<16xi32>, vector<16xi32>, vector<16xi32>, vector<16xi32>, vector<16xi32>, vector<16xi32>
    }
    %scan3A_41 = arith.constant 100 : i32
    %swap3A = arith.constant 96 : index
    %swap3A_42 = tpu.vector_load %arg10[%swap3A] {strides = array<i32>} : memref<128xf32, #tpu.memory_space<vmem>>, vector<16xf32>,
    tpu.vector_store %arg10[%swap3A], %broadcast_in_dim3A_9 {strides = array<i32>} : memref<128xf32, #tpu.memory_space<vmem>>, vector<16xf32>,
    %swap3A_43 = arith.constant 112 : index
    %swap3A_44 = tpu.vector_load %arg10[%swap3A_43] {strides = array<i32>} : memref<128xf32, #tpu.memory_space<vmem>>, vector<16xf32>,
    tpu.vector_store %arg10[%swap3A_43], %broadcast_in_dim3A_9 {strides = array<i32>} : memref<128xf32, #tpu.memory_space<vmem>>, vector<16xf32>,
    %add3A_45 = arith.constant 0 : i32
    %add3A_46 = vector.broadcast %add3A_45 : i32 to vector<16xi32>
    %add3A_47 = arith.addi %iota3A, %add3A_46 : vector<16xi32>
    %lt3A_48 = arith.constant 100 : i32
    %lt3A_49 = vector.broadcast %lt3A_48 : i32 to vector<16xi32>
    %lt3A_50 = arith.cmpi slt, %add3A_47, %lt3A_49 : vector<16xi32>
    tpu.vector_store_idx %arg10[%scan3A_40#0], %get3A_10 masked %lt3A_50 : memref<128xf32, #tpu.memory_space<vmem>>[vector<16xi32>], vector<16xf32>, vector<16xi1>
    %add3A_51 = arith.constant 16 : i32
    %add3A_52 = vector.broadcast %add3A_51 : i32 to vector<16xi32>
    %add3A_53 = arith.addi %iota3A, %add3A_52 : vector<16xi32>
    %lt3A_54 = arith.constant 100 : i32
    %lt3A_55 = vector.broadcast %lt3A_54 : i32 to vector<16xi32>
    %lt3A_56 = arith.cmpi slt, %add3A_53, %lt3A_55 : vector<16xi32>
    tpu.vector_store_idx %arg10[%scan3A_40#1], %get3A_12 masked %lt3A_56 : memref<128xf32, #tpu.memory_space<vmem>>[vector<16xi32>], vector<16xf32>, vector<16xi1>
    %add3A_57 = arith.constant 32 : i32
    %add3A_58 = vector.broadcast %add3A_57 : i32 to vector<16xi32>
    %add3A_59 = arith.addi %iota3A, %add3A_58 : vector<16xi32>
    %lt3A_60 = arith.constant 100 : i32
    %lt3A_61 = vector.broadcast %lt3A_60 : i32 to vector<16xi32>
    %lt3A_62 = arith.cmpi slt, %add3A_59, %lt3A_61 : vector<16xi32>
    tpu.vector_store_idx %arg10[%scan3A_40#2], %get3A_14 masked %lt3A_62 : memref<128xf32, #tpu.memory_space<vmem>>[vector<16xi32>], vector<16xf32>, vector<16xi1>
    %add3A_63 = arith.constant 48 : i32
    %add3A_64 = vector.broadcast %add3A_63 : i32 to vector<16xi32>
    %add3A_65 = arith.addi %iota3A, %add3A_64 : vector<16xi32>
    %lt3A_66 = arith.constant 100 : i32
    %lt3A_67 = vector.broadcast %lt3A_66 : i32 to vector<16xi32>
    %lt3A_68 = arith.cmpi slt, %add3A_65, %lt3A_67 : vector<16xi32>
    tpu.vector_store_idx %arg10[%scan3A_40#3], %get3A_16 masked %lt3A_68 : memref<128xf32, #tpu.memory_space<vmem>>[vector<16xi32>], vector<16xf32>, vector<16xi1>
    %add3A_69 = arith.constant 64 : i32
    %add3A_70 = vector.broadcast %add3A_69 : i32 to vector<16xi32>
    %add3A_71 = arith.addi %iota3A, %add3A_70 : vector<16xi32>
    %lt3A_72 = arith.constant 100 : i32
    %lt3A_73 = vector.broadcast %lt3A_72 : i32 to vector<16xi32>
    %lt3A_74 = arith.cmpi slt, %add3A_71, %lt3A_73 : vector<16xi32>
    tpu.vector_store_idx %arg10[%scan3A_40#4], %get3A_18 masked %lt3A_74 : memref<128xf32, #tpu.memory_space<vmem>>[vector<16xi32>], vector<16xf32>, vector<16xi1>
    %add3A_75 = arith.constant 80 : i32
    %add3A_76 = vector.broadcast %add3A_75 : i32 to vector<16xi32>
    %add3A_77 = arith.addi %iota3A, %add3A_76 : vector<16xi32>
    %lt3A_78 = arith.constant 100 : i32
    %lt3A_79 = vector.broadcast %lt3A_78 : i32 to vector<16xi32>
    %lt3A_80 = arith.cmpi slt, %add3A_77, %lt3A_79 : vector<16xi32>
    tpu.vector_store_idx %arg10[%scan3A_40#5], %get3A_20 masked %lt3A_80 : memref<128xf32, #tpu.memory_space<vmem>>[vector<16xi32>], vector<16xf32>, vector<16xi1>
    %add3A_81 = arith.constant 96 : i32
    %add3A_82 = vector.broadcast %add3A_81 : i32 to vector<16xi32>
    %add3A_83 = arith.addi %iota3A, %add3A_82 : vector<16xi32>
    %lt3A_84 = arith.constant 100 : i32
    %lt3A_85 = vector.broadcast %lt3A_84 : i32 to vector<16xi32>
    %lt3A_86 = arith.cmpi slt, %add3A_83, %lt3A_85 : vector<16xi32>
    tpu.vector_store_idx %arg10[%scan3A_40#6], %get3A_22 masked %lt3A_86 : memref<128xf32, #tpu.memory_space<vmem>>[vector<16xi32>], vector<16xf32>, vector<16xi1>
    %broadcast_in_dim3A_87 = arith.constant 0 : i32
    %broadcast_in_dim3A_88 = vector.broadcast %broadcast_in_dim3A_87 : i32 to vector<16xi32>
    %gather3A = tpu.vector_load_idx %arg13[%broadcast_in_dim3A_88] : memref<16xf32, #tpu.memory_space<vmem>>[vector<16xi32>], vector<16xf32>,
    %broadcast_in_dim3A_89 = arith.constant 0.000000e+00 : f32
    %broadcast_in_dim3A_90 = vector.broadcast %broadcast_in_dim3A_89 : f32 to vector<16xf32>
    %get3A_91 = arith.constant 0 : index
    %get3A_92 = tpu.vector_load %arg10[%get3A_91] {strides = array<i32>} : memref<128xf32, #tpu.memory_space<vmem>>, vector<16xf32>,
    %add3A_93 = arith.constant -1 : i32
    %add3A_94 = vector.broadcast %add3A_93 : i32 to vector<16xi32>
    %add3A_95 = arith.addi %iota3A, %add3A_94 : vector<16xi32>
    %max3A = arith.constant 0 : i32
    %max3A_96 = vector.broadcast %max3A : i32 to vector<16xi32>
    %max3A_97 = arith.maxsi %add3A_95, %max3A_96 : vector<16xi32>
    %gather3A_98 = tpu.vector_load_idx %arg10[%max3A_97] : memref<128xf32, #tpu.memory_space<vmem>>[vector<16xi32>], vector<16xf32>,
    %get3A_99 = arith.constant 0 : index
    %get3A_100 = tpu.vector_load %arg12[%get3A_99] {strides = array<i32>} : memref<128xf32, #tpu.memory_space<vmem>>, vector<16xf32>,
    %sub3A = arith.subf %get3A_92, %gather3A_98 : vector<16xf32>
    %mul3A_101 = arith.mulf %sub3A, %get3A_100 : vector<16xf32>
    %broadcast_in_dim3A_102 = arith.constant true
    %broadcast_in_dim3A_103 = vector.broadcast %broadcast_in_dim3A_102 : i1 to vector<16xi1>
    %masked_cumsum3A = tpu.scan <sum>, %mul3A_101 masked %broadcast_in_dim3A_103 : vector<16xf32>, vector<16xi1> -> vector<16xf32>
    %add3A_104 = arith.addf %masked_cumsum3A, %broadcast_in_dim3A_90 : vector<16xf32>
    %sub3A_105 = arith.constant 1 : i32
    %sub3A_106 = vector.broadcast %sub3A_105 : i32 to vector<16xi32>
    %sub3A_107 = arith.subi %iota3A, %sub3A_106 : vector<16xi32>
    %max3A_108 = arith.constant 0 : i32
    %max3A_109 = vector.broadcast %max3A_108 : i32 to vector<16xi32>
    %max3A_110 = arith.maxsi %sub3A_107, %max3A_109 : vector<16xi32>
    %reshape3A = vector.shape_cast %max3A_110 : vector<16xi32> to vector<16x1xi32>
    %gather3A_111 = vector.shape_cast %reshape3A : vector<16x1xi32> to vector<16xi32>
    %gather3A_112 = tpu.dynamic_gather %add3A_104[%gather3A_111] in [0] : vector<16xf32>, vector<16xi32> -> vector<16xf32>
    %eq3A = arith.constant 0 : i32
    %eq3A_113 = vector.broadcast %eq3A : i32 to vector<16xi32>
    %eq3A_114 = arith.cmpi eq, %iota3A, %eq3A_113 : vector<16xi32>
    %select_n3A_115 = arith.select %eq3A_114, %broadcast_in_dim3A_90, %gather3A_112 : vector<16xi1>, vector<16xf32>
    %add3A_116 = arith.addf %gather3A, %select_n3A_115 : vector<16xf32>
    %mul3A_117 = arith.mulf %gather3A_98, %get3A_100 : vector<16xf32>
    %sub3A_118 = arith.subf %add3A_116, %mul3A_117 : vector<16xf32>
    %swap3A_119 = arith.constant 0 : index
    %swap3A_120 = tpu.vector_load %arg11[%swap3A_119] {strides = array<i32>} : memref<128xf32, #tpu.memory_space<vmem>>, vector<16xf32>,
    tpu.vector_store %arg11[%swap3A_119], %sub3A_118 {strides = array<i32>} : memref<128xf32, #tpu.memory_space<vmem>>, vector<16xf32>,
    %broadcast_in_dim3A_121 = arith.constant 15 : i32
    %broadcast_in_dim3A_122 = vector.broadcast %broadcast_in_dim3A_121 : i32 to vector<16xi32>
    %reshape3A_123 = vector.shape_cast %broadcast_in_dim3A_122 : vector<16xi32> to vector<16x1xi32>
    %gather3A_124 = vector.shape_cast %reshape3A_123 : vector<16x1xi32> to vector<16xi32>
    %gather3A_125 = tpu.dynamic_gather %add3A_104[%gather3A_124] in [0] : vector<16xf32>, vector<16xi32> -> vector<16xf32>
    %get3A_126 = arith.constant 16 : index
    %get3A_127 = tpu.vector_load %arg10[%get3A_126] {strides = array<i32>} : memref<128xf32, #tpu.memory_space<vmem>>, vector<16xf32>,
    %add3A_128 = arith.constant 15 : i32
    %add3A_129 = vector.broadcast %add3A_128 : i32 to vector<16xi32>
    %add3A_130 = arith.addi %iota3A, %add3A_129 : vector<16xi32>
    %max3A_131 = arith.constant 0 : i32
    %max3A_132 = vector.broadcast %max3A_131 : i32 to vector<16xi32>
    %max3A_133 = arith.maxsi %add3A_130, %max3A_132 : vector<16xi32>
    %gather3A_134 = tpu.vector_load_idx %arg10[%max3A_133] : memref<128xf32, #tpu.memory_space<vmem>>[vector<16xi32>], vector<16xf32>,
    %get3A_135 = arith.constant 16 : index
    %get3A_136 = tpu.vector_load %arg12[%get3A_135] {strides = array<i32>} : memref<128xf32, #tpu.memory_space<vmem>>, vector<16xf32>,
    %sub3A_137 = arith.subf %get3A_127, %gather3A_134 : vector<16xf32>
    %mul3A_138 = arith.mulf %sub3A_137, %get3A_136 : vector<16xf32>
    %broadcast_in_dim3A_139 = arith.constant true
    %broadcast_in_dim3A_140 = vector.broadcast %broadcast_in_dim3A_139 : i1 to vector<16xi1>
    %masked_cumsum3A_141 = tpu.scan <sum>, %mul3A_138 masked %broadcast_in_dim3A_140 : vector<16xf32>, vector<16xi1> -> vector<16xf32>
    %add3A_142 = arith.addf %masked_cumsum3A_141, %gather3A_125 : vector<16xf32>
    %sub3A_143 = arith.constant 1 : i32
    %sub3A_144 = vector.broadcast %sub3A_143 : i32 to vector<16xi32>
    %sub3A_145 = arith.subi %iota3A, %sub3A_144 : vector<16xi32>
    %max3A_146 = arith.constant 0 : i32
    %max3A_147 = vector.broadcast %max3A_146 : i32 to vector<16xi32>
    %max3A_148 = arith.maxsi %sub3A_145, %max3A_147 : vector<16xi32>
    %reshape3A_149 = vector.shape_cast %max3A_148 : vector<16xi32> to vector<16x1xi32>
    %gather3A_150 = vector.shape_cast %reshape3A_149 : vector<16x1xi32> to vector<16xi32>
    %gather3A_151 = tpu.dynamic_gather %add3A_142[%gather3A_150] in [0] : vector<16xf32>, vector<16xi32> -> vector<16xf32>
    %eq3A_152 = arith.constant 0 : i32
    %eq3A_153 = vector.broadcast %eq3A_152 : i32 to vector<16xi32>
    %eq3A_154 = arith.cmpi eq, %iota3A, %eq3A_153 : vector<16xi32>
    %select_n3A_155 = arith.select %eq3A_154, %gather3A_125, %gather3A_151 : vector<16xi1>, vector<16xf32>
    %add3A_156 = arith.addf %gather3A, %select_n3A_155 : vector<16xf32>
    %mul3A_157 = arith.mulf %gather3A_134, %get3A_136 : vector<16xf32>
    %sub3A_158 = arith.subf %add3A_156, %mul3A_157 : vector<16xf32>
    %swap3A_159 = arith.constant 16 : index
    %swap3A_160 = tpu.vector_load %arg11[%swap3A_159] {strides = array<i32>} : memref<128xf32, #tpu.memory_space<vmem>>, vector<16xf32>,
    tpu.vector_store %arg11[%swap3A_159], %sub3A_158 {strides = array<i32>} : memref<128xf32, #tpu.memory_space<vmem>>, vector<16xf32>,
    %broadcast_in_dim3A_161 = arith.constant 15 : i32
    %broadcast_in_dim3A_162 = vector.broadcast %broadcast_in_dim3A_161 : i32 to vector<16xi32>
    %reshape3A_163 = vector.shape_cast %broadcast_in_dim3A_162 : vector<16xi32> to vector<16x1xi32>
    %gather3A_164 = vector.shape_cast %reshape3A_163 : vector<16x1xi32> to vector<16xi32>
    %gather3A_165 = tpu.dynamic_gather %add3A_142[%gather3A_164] in [0] : vector<16xf32>, vector<16xi32> -> vector<16xf32>
    %get3A_166 = arith.constant 32 : index
    %get3A_167 = tpu.vector_load %arg10[%get3A_166] {strides = array<i32>} : memref<128xf32, #tpu.memory_space<vmem>>, vector<16xf32>,
    %add3A_168 = arith.constant 31 : i32
    %add3A_169 = vector.broadcast %add3A_168 : i32 to vector<16xi32>
    %add3A_170 = arith.addi %iota3A, %add3A_169 : vector<16xi32>
    %max3A_171 = arith.constant 0 : i32
    %max3A_172 = vector.broadcast %max3A_171 : i32 to vector<16xi32>
    %max3A_173 = arith.maxsi %add3A_170, %max3A_172 : vector<16xi32>
    %gather3A_174 = tpu.vector_load_idx %arg10[%max3A_173] : memref<128xf32, #tpu.memory_space<vmem>>[vector<16xi32>], vector<16xf32>,
    %get3A_175 = arith.constant 32 : index
    %get3A_176 = tpu.vector_load %arg12[%get3A_175] {strides = array<i32>} : memref<128xf32, #tpu.memory_space<vmem>>, vector<16xf32>,
    %sub3A_177 = arith.subf %get3A_167, %gather3A_174 : vector<16xf32>
    %mul3A_178 = arith.mulf %sub3A_177, %get3A_176 : vector<16xf32>
    %broadcast_in_dim3A_179 = arith.constant true
    %broadcast_in_dim3A_180 = vector.broadcast %broadcast_in_dim3A_179 : i1 to vector<16xi1>
    %masked_cumsum3A_181 = tpu.scan <sum>, %mul3A_178 masked %broadcast_in_dim3A_180 : vector<16xf32>, vector<16xi1> -> vector<16xf32>
    %add3A_182 = arith.addf %masked_cumsum3A_181, %gather3A_165 : vector<16xf32>
    %sub3A_183 = arith.constant 1 : i32
    %sub3A_184 = vector.broadcast %sub3A_183 : i32 to vector<16xi32>
    %sub3A_185 = arith.subi %iota3A, %sub3A_184 : vector<16xi32>
    %max3A_186 = arith.constant 0 : i32
    %max3A_187 = vector.broadcast %max3A_186 : i32 to vector<16xi32>
    %max3A_188 = arith.maxsi %sub3A_185, %max3A_187 : vector<16xi32>
    %reshape3A_189 = vector.shape_cast %max3A_188 : vector<16xi32> to vector<16x1xi32>
    %gather3A_190 = vector.shape_cast %reshape3A_189 : vector<16x1xi32> to vector<16xi32>
    %gather3A_191 = tpu.dynamic_gather %add3A_182[%gather3A_190] in [0] : vector<16xf32>, vector<16xi32> -> vector<16xf32>
    %eq3A_192 = arith.constant 0 : i32
    %eq3A_193 = vector.broadcast %eq3A_192 : i32 to vector<16xi32>
    %eq3A_194 = arith.cmpi eq, %iota3A, %eq3A_193 : vector<16xi32>
    %select_n3A_195 = arith.select %eq3A_194, %gather3A_165, %gather3A_191 : vector<16xi1>, vector<16xf32>
    %add3A_196 = arith.addf %gather3A, %select_n3A_195 : vector<16xf32>
    %mul3A_197 = arith.mulf %gather3A_174, %get3A_176 : vector<16xf32>
    %sub3A_198 = arith.subf %add3A_196, %mul3A_197 : vector<16xf32>
    %swap3A_199 = arith.constant 32 : index
    %swap3A_200 = tpu.vector_load %arg11[%swap3A_199] {strides = array<i32>} : memref<128xf32, #tpu.memory_space<vmem>>, vector<16xf32>,
    tpu.vector_store %arg11[%swap3A_199], %sub3A_198 {strides = array<i32>} : memref<128xf32, #tpu.memory_space<vmem>>, vector<16xf32>,
    %broadcast_in_dim3A_201 = arith.constant 15 : i32
    %broadcast_in_dim3A_202 = vector.broadcast %broadcast_in_dim3A_201 : i32 to vector<16xi32>
    %reshape3A_203 = vector.shape_cast %broadcast_in_dim3A_202 : vector<16xi32> to vector<16x1xi32>
    %gather3A_204 = vector.shape_cast %reshape3A_203 : vector<16x1xi32> to vector<16xi32>
    %gather3A_205 = tpu.dynamic_gather %add3A_182[%gather3A_204] in [0] : vector<16xf32>, vector<16xi32> -> vector<16xf32>
    %get3A_206 = arith.constant 48 : index
    %get3A_207 = tpu.vector_load %arg10[%get3A_206] {strides = array<i32>} : memref<128xf32, #tpu.memory_space<vmem>>, vector<16xf32>,
    %add3A_208 = arith.constant 47 : i32
    %add3A_209 = vector.broadcast %add3A_208 : i32 to vector<16xi32>
    %add3A_210 = arith.addi %iota3A, %add3A_209 : vector<16xi32>
    %max3A_211 = arith.constant 0 : i32
    %max3A_212 = vector.broadcast %max3A_211 : i32 to vector<16xi32>
    %max3A_213 = arith.maxsi %add3A_210, %max3A_212 : vector<16xi32>
    %gather3A_214 = tpu.vector_load_idx %arg10[%max3A_213] : memref<128xf32, #tpu.memory_space<vmem>>[vector<16xi32>], vector<16xf32>,
    %get3A_215 = arith.constant 48 : index
    %get3A_216 = tpu.vector_load %arg12[%get3A_215] {strides = array<i32>} : memref<128xf32, #tpu.memory_space<vmem>>, vector<16xf32>,
    %sub3A_217 = arith.subf %get3A_207, %gather3A_214 : vector<16xf32>
    %mul3A_218 = arith.mulf %sub3A_217, %get3A_216 : vector<16xf32>
    %broadcast_in_dim3A_219 = arith.constant true
    %broadcast_in_dim3A_220 = vector.broadcast %broadcast_in_dim3A_219 : i1 to vector<16xi1>
    %masked_cumsum3A_221 = tpu.scan <sum>, %mul3A_218 masked %broadcast_in_dim3A_220 : vector<16xf32>, vector<16xi1> -> vector<16xf32>
    %add3A_222 = arith.addf %masked_cumsum3A_221, %gather3A_205 : vector<16xf32>
    %sub3A_223 = arith.constant 1 : i32
    %sub3A_224 = vector.broadcast %sub3A_223 : i32 to vector<16xi32>
    %sub3A_225 = arith.subi %iota3A, %sub3A_224 : vector<16xi32>
    %max3A_226 = arith.constant 0 : i32
    %max3A_227 = vector.broadcast %max3A_226 : i32 to vector<16xi32>
    %max3A_228 = arith.maxsi %sub3A_225, %max3A_227 : vector<16xi32>
    %reshape3A_229 = vector.shape_cast %max3A_228 : vector<16xi32> to vector<16x1xi32>
    %gather3A_230 = vector.shape_cast %reshape3A_229 : vector<16x1xi32> to vector<16xi32>
    %gather3A_231 = tpu.dynamic_gather %add3A_222[%gather3A_230] in [0] : vector<16xf32>, vector<16xi32> -> vector<16xf32>
    %eq3A_232 = arith.constant 0 : i32
    %eq3A_233 = vector.broadcast %eq3A_232 : i32 to vector<16xi32>
    %eq3A_234 = arith.cmpi eq, %iota3A, %eq3A_233 : vector<16xi32>
    %select_n3A_235 = arith.select %eq3A_234, %gather3A_205, %gather3A_231 : vector<16xi1>, vector<16xf32>
    %add3A_236 = arith.addf %gather3A, %select_n3A_235 : vector<16xf32>
    %mul3A_237 = arith.mulf %gather3A_214, %get3A_216 : vector<16xf32>
    %sub3A_238 = arith.subf %add3A_236, %mul3A_237 : vector<16xf32>
    %swap3A_239 = arith.constant 48 : index
    %swap3A_240 = tpu.vector_load %arg11[%swap3A_239] {strides = array<i32>} : memref<128xf32, #tpu.memory_space<vmem>>, vector<16xf32>,
    tpu.vector_store %arg11[%swap3A_239], %sub3A_238 {strides = array<i32>} : memref<128xf32, #tpu.memory_space<vmem>>, vector<16xf32>,
    %broadcast_in_dim3A_241 = arith.constant 15 : i32
    %broadcast_in_dim3A_242 = vector.broadcast %broadcast_in_dim3A_241 : i32 to vector<16xi32>
    %reshape3A_243 = vector.shape_cast %broadcast_in_dim3A_242 : vector<16xi32> to vector<16x1xi32>
    %gather3A_244 = vector.shape_cast %reshape3A_243 : vector<16x1xi32> to vector<16xi32>
    %gather3A_245 = tpu.dynamic_gather %add3A_222[%gather3A_244] in [0] : vector<16xf32>, vector<16xi32> -> vector<16xf32>
    %get3A_246 = arith.constant 64 : index
    %get3A_247 = tpu.vector_load %arg10[%get3A_246] {strides = array<i32>} : memref<128xf32, #tpu.memory_space<vmem>>, vector<16xf32>,
    %add3A_248 = arith.constant 63 : i32
    %add3A_249 = vector.broadcast %add3A_248 : i32 to vector<16xi32>
    %add3A_250 = arith.addi %iota3A, %add3A_249 : vector<16xi32>
    %max3A_251 = arith.constant 0 : i32
    %max3A_252 = vector.broadcast %max3A_251 : i32 to vector<16xi32>
    %max3A_253 = arith.maxsi %add3A_250, %max3A_252 : vector<16xi32>
    %gather3A_254 = tpu.vector_load_idx %arg10[%max3A_253] : memref<128xf32, #tpu.memory_space<vmem>>[vector<16xi32>], vector<16xf32>,
    %get3A_255 = arith.constant 64 : index
    %get3A_256 = tpu.vector_load %arg12[%get3A_255] {strides = array<i32>} : memref<128xf32, #tpu.memory_space<vmem>>, vector<16xf32>,
    %sub3A_257 = arith.subf %get3A_247, %gather3A_254 : vector<16xf32>
    %mul3A_258 = arith.mulf %sub3A_257, %get3A_256 : vector<16xf32>
    %broadcast_in_dim3A_259 = arith.constant true
    %broadcast_in_dim3A_260 = vector.broadcast %broadcast_in_dim3A_259 : i1 to vector<16xi1>
    %masked_cumsum3A_261 = tpu.scan <sum>, %mul3A_258 masked %broadcast_in_dim3A_260 : vector<16xf32>, vector<16xi1> -> vector<16xf32>
    %add3A_262 = arith.addf %masked_cumsum3A_261, %gather3A_245 : vector<16xf32>
    %sub3A_263 = arith.constant 1 : i32
    %sub3A_264 = vector.broadcast %sub3A_263 : i32 to vector<16xi32>
    %sub3A_265 = arith.subi %iota3A, %sub3A_264 : vector<16xi32>
    %max3A_266 = arith.constant 0 : i32
    %max3A_267 = vector.broadcast %max3A_266 : i32 to vector<16xi32>
    %max3A_268 = arith.maxsi %sub3A_265, %max3A_267 : vector<16xi32>
    %reshape3A_269 = vector.shape_cast %max3A_268 : vector<16xi32> to vector<16x1xi32>
    %gather3A_270 = vector.shape_cast %reshape3A_269 : vector<16x1xi32> to vector<16xi32>
    %gather3A_271 = tpu.dynamic_gather %add3A_262[%gather3A_270] in [0] : vector<16xf32>, vector<16xi32> -> vector<16xf32>
    %eq3A_272 = arith.constant 0 : i32
    %eq3A_273 = vector.broadcast %eq3A_272 : i32 to vector<16xi32>
    %eq3A_274 = arith.cmpi eq, %iota3A, %eq3A_273 : vector<16xi32>
    %select_n3A_275 = arith.select %eq3A_274, %gather3A_245, %gather3A_271 : vector<16xi1>, vector<16xf32>
    %add3A_276 = arith.addf %gather3A, %select_n3A_275 : vector<16xf32>
    %mul3A_277 = arith.mulf %gather3A_254, %get3A_256 : vector<16xf32>
    %sub3A_278 = arith.subf %add3A_276, %mul3A_277 : vector<16xf32>
    %swap3A_279 = arith.constant 64 : index
    %swap3A_280 = tpu.vector_load %arg11[%swap3A_279] {strides = array<i32>} : memref<128xf32, #tpu.memory_space<vmem>>, vector<16xf32>,
    tpu.vector_store %arg11[%swap3A_279], %sub3A_278 {strides = array<i32>} : memref<128xf32, #tpu.memory_space<vmem>>, vector<16xf32>,
    %broadcast_in_dim3A_281 = arith.constant 15 : i32
    %broadcast_in_dim3A_282 = vector.broadcast %broadcast_in_dim3A_281 : i32 to vector<16xi32>
    %reshape3A_283 = vector.shape_cast %broadcast_in_dim3A_282 : vector<16xi32> to vector<16x1xi32>
    %gather3A_284 = vector.shape_cast %reshape3A_283 : vector<16x1xi32> to vector<16xi32>
    %gather3A_285 = tpu.dynamic_gather %add3A_262[%gather3A_284] in [0] : vector<16xf32>, vector<16xi32> -> vector<16xf32>
    %get3A_286 = arith.constant 80 : index
    %get3A_287 = tpu.vector_load %arg10[%get3A_286] {strides = array<i32>} : memref<128xf32, #tpu.memory_space<vmem>>, vector<16xf32>,
    %add3A_288 = arith.constant 79 : i32
    %add3A_289 = vector.broadcast %add3A_288 : i32 to vector<16xi32>
    %add3A_290 = arith.addi %iota3A, %add3A_289 : vector<16xi32>
    %max3A_291 = arith.constant 0 : i32
    %max3A_292 = vector.broadcast %max3A_291 : i32 to vector<16xi32>
    %max3A_293 = arith.maxsi %add3A_290, %max3A_292 : vector<16xi32>
    %gather3A_294 = tpu.vector_load_idx %arg10[%max3A_293] : memref<128xf32, #tpu.memory_space<vmem>>[vector<16xi32>], vector<16xf32>,
    %get3A_295 = arith.constant 80 : index
    %get3A_296 = tpu.vector_load %arg12[%get3A_295] {strides = array<i32>} : memref<128xf32, #tpu.memory_space<vmem>>, vector<16xf32>,
    %sub3A_297 = arith.subf %get3A_287, %gather3A_294 : vector<16xf32>
    %mul3A_298 = arith.mulf %sub3A_297, %get3A_296 : vector<16xf32>
    %broadcast_in_dim3A_299 = arith.constant true
    %broadcast_in_dim3A_300 = vector.broadcast %broadcast_in_dim3A_299 : i1 to vector<16xi1>
    %masked_cumsum3A_301 = tpu.scan <sum>, %mul3A_298 masked %broadcast_in_dim3A_300 : vector<16xf32>, vector<16xi1> -> vector<16xf32>
    %add3A_302 = arith.addf %masked_cumsum3A_301, %gather3A_285 : vector<16xf32>
    %sub3A_303 = arith.constant 1 : i32
    %sub3A_304 = vector.broadcast %sub3A_303 : i32 to vector<16xi32>
    %sub3A_305 = arith.subi %iota3A, %sub3A_304 : vector<16xi32>
    %max3A_306 = arith.constant 0 : i32
    %max3A_307 = vector.broadcast %max3A_306 : i32 to vector<16xi32>
    %max3A_308 = arith.maxsi %sub3A_305, %max3A_307 : vector<16xi32>
    %reshape3A_309 = vector.shape_cast %max3A_308 : vector<16xi32> to vector<16x1xi32>
    %gather3A_310 = vector.shape_cast %reshape3A_309 : vector<16x1xi32> to vector<16xi32>
    %gather3A_311 = tpu.dynamic_gather %add3A_302[%gather3A_310] in [0] : vector<16xf32>, vector<16xi32> -> vector<16xf32>
    %eq3A_312 = arith.constant 0 : i32
    %eq3A_313 = vector.broadcast %eq3A_312 : i32 to vector<16xi32>
    %eq3A_314 = arith.cmpi eq, %iota3A, %eq3A_313 : vector<16xi32>
    %select_n3A_315 = arith.select %eq3A_314, %gather3A_285, %gather3A_311 : vector<16xi1>, vector<16xf32>
    %add3A_316 = arith.addf %gather3A, %select_n3A_315 : vector<16xf32>
    %mul3A_317 = arith.mulf %gather3A_294, %get3A_296 : vector<16xf32>
    %sub3A_318 = arith.subf %add3A_316, %mul3A_317 : vector<16xf32>
    %swap3A_319 = arith.constant 80 : index
    %swap3A_320 = tpu.vector_load %arg11[%swap3A_319] {strides = array<i32>} : memref<128xf32, #tpu.memory_space<vmem>>, vector<16xf32>,
    tpu.vector_store %arg11[%swap3A_319], %sub3A_318 {strides = array<i32>} : memref<128xf32, #tpu.memory_space<vmem>>, vector<16xf32>,
    %broadcast_in_dim3A_321 = arith.constant 15 : i32
    %broadcast_in_dim3A_322 = vector.broadcast %broadcast_in_dim3A_321 : i32 to vector<16xi32>
    %reshape3A_323 = vector.shape_cast %broadcast_in_dim3A_322 : vector<16xi32> to vector<16x1xi32>
    %gather3A_324 = vector.shape_cast %reshape3A_323 : vector<16x1xi32> to vector<16xi32>
    %gather3A_325 = tpu.dynamic_gather %add3A_302[%gather3A_324] in [0] : vector<16xf32>, vector<16xi32> -> vector<16xf32>
    %get3A_326 = arith.constant 96 : index
    %get3A_327 = tpu.vector_load %arg10[%get3A_326] {strides = array<i32>} : memref<128xf32, #tpu.memory_space<vmem>>, vector<16xf32>,
    %add3A_328 = arith.constant 95 : i32
    %add3A_329 = vector.broadcast %add3A_328 : i32 to vector<16xi32>
    %add3A_330 = arith.addi %iota3A, %add3A_329 : vector<16xi32>
    %max3A_331 = arith.constant 0 : i32
    %max3A_332 = vector.broadcast %max3A_331 : i32 to vector<16xi32>
    %max3A_333 = arith.maxsi %add3A_330, %max3A_332 : vector<16xi32>
    %gather3A_334 = tpu.vector_load_idx %arg10[%max3A_333] : memref<128xf32, #tpu.memory_space<vmem>>[vector<16xi32>], vector<16xf32>,
    %get3A_335 = arith.constant 96 : index
    %get3A_336 = tpu.vector_load %arg12[%get3A_335] {strides = array<i32>} : memref<128xf32, #tpu.memory_space<vmem>>, vector<16xf32>,
    %sub3A_337 = arith.subf %get3A_327, %gather3A_334 : vector<16xf32>
    %mul3A_338 = arith.mulf %sub3A_337, %get3A_336 : vector<16xf32>
    %broadcast_in_dim3A_339 = arith.constant true
    %broadcast_in_dim3A_340 = vector.broadcast %broadcast_in_dim3A_339 : i1 to vector<16xi1>
    %masked_cumsum3A_341 = tpu.scan <sum>, %mul3A_338 masked %broadcast_in_dim3A_340 : vector<16xf32>, vector<16xi1> -> vector<16xf32>
    %add3A_342 = arith.addf %masked_cumsum3A_341, %gather3A_325 : vector<16xf32>
    %sub3A_343 = arith.constant 1 : i32
    %sub3A_344 = vector.broadcast %sub3A_343 : i32 to vector<16xi32>
    %sub3A_345 = arith.subi %iota3A, %sub3A_344 : vector<16xi32>
    %max3A_346 = arith.constant 0 : i32
    %max3A_347 = vector.broadcast %max3A_346 : i32 to vector<16xi32>
    %max3A_348 = arith.maxsi %sub3A_345, %max3A_347 : vector<16xi32>
    %reshape3A_349 = vector.shape_cast %max3A_348 : vector<16xi32> to vector<16x1xi32>
    %gather3A_350 = vector.shape_cast %reshape3A_349 : vector<16x1xi32> to vector<16xi32>
    %gather3A_351 = tpu.dynamic_gather %add3A_342[%gather3A_350] in [0] : vector<16xf32>, vector<16xi32> -> vector<16xf32>
    %eq3A_352 = arith.constant 0 : i32
    %eq3A_353 = vector.broadcast %eq3A_352 : i32 to vector<16xi32>
    %eq3A_354 = arith.cmpi eq, %iota3A, %eq3A_353 : vector<16xi32>
    %select_n3A_355 = arith.select %eq3A_354, %gather3A_325, %gather3A_351 : vector<16xi1>, vector<16xf32>
    %add3A_356 = arith.addf %gather3A, %select_n3A_355 : vector<16xf32>
    %mul3A_357 = arith.mulf %gather3A_334, %get3A_336 : vector<16xf32>
    %sub3A_358 = arith.subf %add3A_356, %mul3A_357 : vector<16xf32>
    %swap3A_359 = arith.constant 96 : index
    %swap3A_360 = tpu.vector_load %arg11[%swap3A_359] {strides = array<i32>} : memref<128xf32, #tpu.memory_space<vmem>>, vector<16xf32>,
    tpu.vector_store %arg11[%swap3A_359], %sub3A_358 {strides = array<i32>} : memref<128xf32, #tpu.memory_space<vmem>>, vector<16xf32>,
    %broadcast_in_dim3A_361 = arith.constant 15 : i32
    %broadcast_in_dim3A_362 = vector.broadcast %broadcast_in_dim3A_361 : i32 to vector<16xi32>
    %reshape3A_363 = vector.shape_cast %broadcast_in_dim3A_362 : vector<16xi32> to vector<16x1xi32>
    %gather3A_364 = vector.shape_cast %reshape3A_363 : vector<16x1xi32> to vector<16xi32>
    %gather3A_365 = tpu.dynamic_gather %add3A_342[%gather3A_364] in [0] : vector<16xf32>, vector<16xi32> -> vector<16xf32>
    %mul3A_366 = arith.constant 8 : i32
    %mul3A_367 = vector.broadcast %mul3A_366 : i32 to vector<16xi32>
    %mul3A_368 = arith.muli %iota3A, %mul3A_367 : vector<16xi32>
    %add3A_369 = arith.constant 7 : i32
    %add3A_370 = vector.broadcast %add3A_369 : i32 to vector<16xi32>
    %add3A_371 = arith.addi %mul3A_368, %add3A_370 : vector<16xi32>
    %gather3A_372 = tpu.vector_load_idx %arg10[%add3A_371] : memref<128xf32, #tpu.memory_space<vmem>>[vector<16xi32>], vector<16xf32>,
    %parallel_loop3A = arith.constant 0 : i32
    %parallel_loop3A_373 = arith.constant 960 : i32
    %parallel_loop3A_374 = arith.constant 1 : i32
    scf.for %parallel_loop3A_378 = %parallel_loop3A to %parallel_loop3A_373 step %parallel_loop3A_374  : i32 {
      %parallel_loop3A_379 = arith.constant 24 : i32
      %parallel_loop3A_380 = arith.divsi %parallel_loop3A_378, %parallel_loop3A_379 : i32
      %parallel_loop3A_381 = arith.constant 0 : i32
      %parallel_loop3A_382 = arith.cmpi sgt, %parallel_loop3A_378, %parallel_loop3A_381 : i32
      %parallel_loop3A_383 = arith.extui %parallel_loop3A_382 : i1 to i32
      %parallel_loop3A_384 = arith.constant 0 : i32
      %parallel_loop3A_385 = arith.cmpi slt, %parallel_loop3A_378, %parallel_loop3A_384 : i32
      %parallel_loop3A_386 = arith.extui %parallel_loop3A_385 : i1 to i32
      %parallel_loop3A_387 = arith.subi %parallel_loop3A_383, %parallel_loop3A_386 : i32
      %parallel_loop3A_388 = arith.constant 0 : i32
      %parallel_loop3A_389 = arith.cmpi sgt, %parallel_loop3A_379, %parallel_loop3A_388 : i32
      %parallel_loop3A_390 = arith.extui %parallel_loop3A_389 : i1 to i32
      %parallel_loop3A_391 = arith.constant 0 : i32
      %parallel_loop3A_392 = arith.cmpi slt, %parallel_loop3A_379, %parallel_loop3A_391 : i32
      %parallel_loop3A_393 = arith.extui %parallel_loop3A_392 : i1 to i32
      %parallel_loop3A_394 = arith.subi %parallel_loop3A_390, %parallel_loop3A_393 : i32
      %parallel_loop3A_395 = arith.cmpi ne, %parallel_loop3A_387, %parallel_loop3A_394 : i32
      %parallel_loop3A_396 = arith.remsi %parallel_loop3A_378, %parallel_loop3A_379 : i32
      %parallel_loop3A_397 = arith.constant 0 : i32
      %parallel_loop3A_398 = arith.cmpi ne, %parallel_loop3A_396, %parallel_loop3A_397 : i32
      %parallel_loop3A_399 = arith.andi %parallel_loop3A_395, %parallel_loop3A_398 : i1
      %parallel_loop3A_400 = arith.constant 1 : i32
      %parallel_loop3A_401 = arith.subi %parallel_loop3A_380, %parallel_loop3A_400 : i32
      %parallel_loop3A_402 = arith.select %parallel_loop3A_399, %parallel_loop3A_401, %parallel_loop3A_380 : i32
      %parallel_loop3A_403 = arith.constant 24 : i32
      %parallel_loop3A_404 = arith.muli %parallel_loop3A_402, %parallel_loop3A_403 : i32
      %parallel_loop3A_405 = arith.subi %parallel_loop3A_378, %parallel_loop3A_404 : i32
      %parallel_loop3A_406 = arith.constant 16 : i32
      %parallel_loop3A_407 = arith.muli %parallel_loop3A_405, %parallel_loop3A_406 : i32
      %parallel_loop3A_408 = arith.index_cast %parallel_loop3A_402 : i32 to index
      %parallel_loop3A_409 = arith.index_cast %parallel_loop3A_407 : i32 to index
      %parallel_loop3A_410 = tpu.vector_load %arg7[%parallel_loop3A_408, %parallel_loop3A_409] {strides = array<i32>} : memref<40x384xf32, #tpu.memory_space<vmem>>, vector<16xf32>,
      %parallel_loop3A_411 = arith.constant -1 : i32
      %parallel_loop3A_412 = vector.broadcast %parallel_loop3A_411 : i32 to vector<16xi32>
      %parallel_loop3A_413 = arith.constant 64 : i32
      %parallel_loop3A_414 = vector.broadcast %parallel_loop3A_413 : i32 to vector<16xi32>
      %parallel_loop3A_415 = arith.addi %parallel_loop3A_412, %parallel_loop3A_414 : vector<16xi32>
      %parallel_loop3A_416 = arith.constant 3 : i32
      %parallel_loop3A_417 = vector.broadcast %parallel_loop3A_416 : i32 to vector<16xi32>
      %parallel_loop3A_418 = arith.shrui %parallel_loop3A_415, %parallel_loop3A_417 : vector<16xi32>
      %parallel_loop3A_419 = vector.shape_cast %parallel_loop3A_418 : vector<16xi32> to vector<16x1xi32>
      %parallel_loop3A_420 = vector.shape_cast %parallel_loop3A_419 : vector<16x1xi32> to vector<16xi32>
      %parallel_loop3A_421 = tpu.dynamic_gather %gather3A_372[%parallel_loop3A_420] in [0] : vector<16xf32>, vector<16xi32> -> vector<16xf32>
      %parallel_loop3A_422 = arith.cmpf ole, %parallel_loop3A_421, %parallel_loop3A_410 : vector<16xf32>
      %parallel_loop3A_423 = arith.select %parallel_loop3A_422, %parallel_loop3A_415, %parallel_loop3A_412 : vector<16xi1>, vector<16xi32>
      %parallel_loop3A_424 = arith.constant 32 : i32
      %parallel_loop3A_425 = vector.broadcast %parallel_loop3A_424 : i32 to vector<16xi32>
      %parallel_loop3A_426 = arith.addi %parallel_loop3A_423, %parallel_loop3A_425 : vector<16xi32>
      %parallel_loop3A_427 = arith.constant 3 : i32
      %parallel_loop3A_428 = vector.broadcast %parallel_loop3A_427 : i32 to vector<16xi32>
      %parallel_loop3A_429 = arith.shrui %parallel_loop3A_426, %parallel_loop3A_428 : vector<16xi32>
      %parallel_loop3A_430 = vector.shape_cast %parallel_loop3A_429 : vector<16xi32> to vector<16x1xi32>
      %parallel_loop3A_431 = vector.shape_cast %parallel_loop3A_430 : vector<16x1xi32> to vector<16xi32>
      %parallel_loop3A_432 = tpu.dynamic_gather %gather3A_372[%parallel_loop3A_431] in [0] : vector<16xf32>, vector<16xi32> -> vector<16xf32>
      %parallel_loop3A_433 = arith.cmpf ole, %parallel_loop3A_432, %parallel_loop3A_410 : vector<16xf32>
      %parallel_loop3A_434 = arith.select %parallel_loop3A_433, %parallel_loop3A_426, %parallel_loop3A_423 : vector<16xi1>, vector<16xi32>
      %parallel_loop3A_435 = arith.constant 16 : i32
      %parallel_loop3A_436 = vector.broadcast %parallel_loop3A_435 : i32 to vector<16xi32>
      %parallel_loop3A_437 = arith.addi %parallel_loop3A_434, %parallel_loop3A_436 : vector<16xi32>
      %parallel_loop3A_438 = arith.constant 3 : i32
      %parallel_loop3A_439 = vector.broadcast %parallel_loop3A_438 : i32 to vector<16xi32>
      %parallel_loop3A_440 = arith.shrui %parallel_loop3A_437, %parallel_loop3A_439 : vector<16xi32>
      %parallel_loop3A_441 = vector.shape_cast %parallel_loop3A_440 : vector<16xi32> to vector<16x1xi32>
      %parallel_loop3A_442 = vector.shape_cast %parallel_loop3A_441 : vector<16x1xi32> to vector<16xi32>
      %parallel_loop3A_443 = tpu.dynamic_gather %gather3A_372[%parallel_loop3A_442] in [0] : vector<16xf32>, vector<16xi32> -> vector<16xf32>
      %parallel_loop3A_444 = arith.cmpf ole, %parallel_loop3A_443, %parallel_loop3A_410 : vector<16xf32>
      %parallel_loop3A_445 = arith.select %parallel_loop3A_444, %parallel_loop3A_437, %parallel_loop3A_434 : vector<16xi1>, vector<16xi32>
      %parallel_loop3A_446 = arith.constant 8 : i32
      %parallel_loop3A_447 = vector.broadcast %parallel_loop3A_446 : i32 to vector<16xi32>
      %parallel_loop3A_448 = arith.addi %parallel_loop3A_445, %parallel_loop3A_447 : vector<16xi32>
      %parallel_loop3A_449 = arith.constant 3 : i32
      %parallel_loop3A_450 = vector.broadcast %parallel_loop3A_449 : i32 to vector<16xi32>
      %parallel_loop3A_451 = arith.shrui %parallel_loop3A_448, %parallel_loop3A_450 : vector<16xi32>
      %parallel_loop3A_452 = vector.shape_cast %parallel_loop3A_451 : vector<16xi32> to vector<16x1xi32>
      %parallel_loop3A_453 = vector.shape_cast %parallel_loop3A_452 : vector<16x1xi32> to vector<16xi32>
      %parallel_loop3A_454 = tpu.dynamic_gather %gather3A_372[%parallel_loop3A_453] in [0] : vector<16xf32>, vector<16xi32> -> vector<16xf32>
      %parallel_loop3A_455 = arith.cmpf ole, %parallel_loop3A_454, %parallel_loop3A_410 : vector<16xf32>
      %parallel_loop3A_456 = arith.select %parallel_loop3A_455, %parallel_loop3A_448, %parallel_loop3A_445 : vector<16xi1>, vector<16xi32>
      %parallel_loop3A_457 = arith.constant 4 : i32
      %parallel_loop3A_458 = vector.broadcast %parallel_loop3A_457 : i32 to vector<16xi32>
      %parallel_loop3A_459 = arith.addi %parallel_loop3A_456, %parallel_loop3A_458 : vector<16xi32>
      %parallel_loop3A_460 = tpu.vector_load_idx %arg10[%parallel_loop3A_459] : memref<128xf32, #tpu.memory_space<vmem>>[vector<16xi32>], vector<16xf32>,
      %parallel_loop3A_461 = arith.cmpf ole, %parallel_loop3A_460, %parallel_loop3A_410 : vector<16xf32>
      %parallel_loop3A_462 = arith.select %parallel_loop3A_461, %parallel_loop3A_459, %parallel_loop3A_456 : vector<16xi1>, vector<16xi32>
      %parallel_loop3A_463 = arith.constant 2 : i32
      %parallel_loop3A_464 = vector.broadcast %parallel_loop3A_463 : i32 to vector<16xi32>
      %parallel_loop3A_465 = arith.addi %parallel_loop3A_462, %parallel_loop3A_464 : vector<16xi32>
      %parallel_loop3A_466 = tpu.vector_load_idx %arg10[%parallel_loop3A_465] : memref<128xf32, #tpu.memory_space<vmem>>[vector<16xi32>], vector<16xf32>,
      %parallel_loop3A_467 = arith.cmpf ole, %parallel_loop3A_466, %parallel_loop3A_410 : vector<16xf32>
      %parallel_loop3A_468 = arith.select %parallel_loop3A_467, %parallel_loop3A_465, %parallel_loop3A_462 : vector<16xi1>, vector<16xi32>
      %parallel_loop3A_469 = arith.constant 1 : i32
      %parallel_loop3A_470 = vector.broadcast %parallel_loop3A_469 : i32 to vector<16xi32>
      %parallel_loop3A_471 = arith.addi %parallel_loop3A_468, %parallel_loop3A_470 : vector<16xi32>
      %parallel_loop3A_472 = tpu.vector_load_idx %arg10[%parallel_loop3A_471] : memref<128xf32, #tpu.memory_space<vmem>>[vector<16xi32>], vector<16xf32>,
      %parallel_loop3A_473 = arith.cmpf ole, %parallel_loop3A_472, %parallel_loop3A_410 : vector<16xf32>
      %parallel_loop3A_474 = arith.select %parallel_loop3A_473, %parallel_loop3A_471, %parallel_loop3A_468 : vector<16xi1>, vector<16xi32>
      %parallel_loop3A_475 = arith.constant 1 : i32
      %parallel_loop3A_476 = vector.broadcast %parallel_loop3A_475 : i32 to vector<16xi32>
      %parallel_loop3A_477 = arith.addi %parallel_loop3A_474, %parallel_loop3A_476 : vector<16xi32>
      %parallel_loop3A_478 = tpu.vector_load_idx %arg11[%parallel_loop3A_477] : memref<128xf32, #tpu.memory_space<vmem>>[vector<16xi32>], vector<16xf32>,
      %parallel_loop3A_479 = tpu.vector_load_idx %arg12[%parallel_loop3A_477] : memref<128xf32, #tpu.memory_space<vmem>>[vector<16xi32>], vector<16xf32>,
      %parallel_loop3A_480 = arith.mulf %parallel_loop3A_410, %parallel_loop3A_479 : vector<16xf32>
      %parallel_loop3A_481 = arith.addf %parallel_loop3A_478, %parallel_loop3A_480 : vector<16xf32>
      %parallel_loop3A_482 = arith.constant 0.000000e+00 : f32
      %parallel_loop3A_483 = arith.constant 1.000000e+00 : f32
      %parallel_loop3A_484 = vector.broadcast %parallel_loop3A_482 : f32 to vector<16xf32>
      %parallel_loop3A_485 = arith.maximumf %parallel_loop3A_484, %parallel_loop3A_481 : vector<16xf32>
      %parallel_loop3A_486 = vector.broadcast %parallel_loop3A_483 : f32 to vector<16xf32>
      %parallel_loop3A_487 = arith.minimumf %parallel_loop3A_486, %parallel_loop3A_485 : vector<16xf32>
      %parallel_loop3A_488 = arith.index_cast %parallel_loop3A_402 : i32 to index
      %parallel_loop3A_489 = arith.index_cast %parallel_loop3A_407 : i32 to index
      %parallel_loop3A_490 = tpu.vector_load %arg8[%parallel_loop3A_488, %parallel_loop3A_489] {strides = array<i32>} : memref<40x384xf32, #tpu.memory_space<vmem>>, vector<16xf32>,
      tpu.vector_store %arg8[%parallel_loop3A_488, %parallel_loop3A_489], %parallel_loop3A_487 {strides = array<i32>} : memref<40x384xf32, #tpu.memory_space<vmem>>, vector<16xf32>,
    } {sc.loop_unroll_factor = 8 : i64, sc.parallel_access}
    "tpu.region"() ({
      %run_scoped3A = tpu.sem_alloc : memref<!tpu.dma_semaphore, #tpu.memory_space<semaphore_mem>>
      %dma_start3A = arith.constant 0 : i32
      %dma_start3A_378 = arith.constant 0 : i32
      %dma_start3A_379 = tpu.memref_slice %arg8[%dma_start3A, %dma_start3A_378] : memref<40x384xf32, #tpu.memory_space<vmem>> -> memref<32x384xf32, #tpu.memory_space<vmem>>
      %dma_start3A_380 = arith.constant 0 : i32
      %dma_start3A_381 = tpu.memref_slice %arg6[%select_n3A, %dma_start3A_380] : memref<1152x384xf32, #tpu.memory_space<hbm>> -> memref<32x384xf32, #tpu.memory_space<hbm>>
      %dma_start3A_382 = arith.constant 0 : i32
      %dma_start3A_383 = tpu.memref_slice %arg6[%select_n3A, %dma_start3A_382] : memref<1152x384xf32, #tpu.memory_space<hbm>> -> memref<32x384xf32, #tpu.memory_space<hbm>>
      %dma_start3A_384 = arith.constant 0 : i32
      %dma_start3A_385 = arith.constant 0 : i32
      %dma_start3A_386 = tpu.memref_slice %arg8[%dma_start3A_384, %dma_start3A_385] : memref<40x384xf32, #tpu.memory_space<vmem>> -> memref<32x384xf32, #tpu.memory_space<vmem>>
      tpu.enqueue_dma source(%dma_start3A_386 : memref<32x384xf32, #tpu.memory_space<vmem>>) target(%dma_start3A_383 : memref<32x384xf32, #tpu.memory_space<hbm>>) target_semaphore(%run_scoped3A : memref<!tpu.dma_semaphore, #tpu.memory_space<semaphore_mem>>)
      %dma_wait3A = arith.constant 0 : i32
      %dma_wait3A_387 = arith.constant 0 : i32
      %dma_wait3A_388 = tpu.memref_slice %arg8[%dma_wait3A, %dma_wait3A_387] : memref<40x384xf32, #tpu.memory_space<vmem>> -> memref<32x384xf32, #tpu.memory_space<vmem>>
      %dma_wait3A_389 = arith.constant 0 : i32
      %dma_wait3A_390 = tpu.memref_slice %arg6[%select_n3A, %dma_wait3A_389] : memref<1152x384xf32, #tpu.memory_space<hbm>> -> memref<32x384xf32, #tpu.memory_space<hbm>>
      %dma_wait3A_391 = arith.constant 0 : i32
      %dma_wait3A_392 = tpu.memref_slice %arg6[%select_n3A, %dma_wait3A_391] : memref<1152x384xf32, #tpu.memory_space<hbm>> -> memref<32x384xf32, #tpu.memory_space<hbm>>
      %dma_wait3A_393 = arith.constant 0 : i32
      %dma_wait3A_394 = arith.constant 0 : i32
      %dma_wait3A_395 = tpu.memref_slice %arg8[%dma_wait3A_393, %dma_wait3A_394] : memref<40x384xf32, #tpu.memory_space<vmem>> -> memref<32x384xf32, #tpu.memory_space<vmem>>
      tpu.wait_dma2 semaphore(%run_scoped3A : memref<!tpu.dma_semaphore, #tpu.memory_space<semaphore_mem>>) src(%dma_wait3A_395 : memref<32x384xf32, #tpu.memory_space<vmem>>) dst(%dma_wait3A_392 : memref<32x384xf32, #tpu.memory_space<hbm>>)
      tpu.yield
    }) : () -> ()
    %convert_element_type3A_375 = arith.extui %lt3A_1 : i1 to i32
    %cond3A_376 = arith.constant 0 : i32
    %cond3A_377 = arith.cmpi ne, %convert_element_type3A_375, %cond3A_376 : i32
    scf.if %cond3A_377 {
      %add3A_378 = arith.constant 32 : i32
      %add3A_379 = arith.addi %select_n3A, %add3A_378 : i32
      "tpu.region"() ({
        %run_scoped3A = tpu.sem_alloc : memref<!tpu.dma_semaphore, #tpu.memory_space<semaphore_mem>>
        %dma_start3A = arith.constant 32 : i32
        %dma_start3A_380 = arith.constant 0 : i32
        %dma_start3A_381 = tpu.memref_slice %arg8[%dma_start3A, %dma_start3A_380] : memref<40x384xf32, #tpu.memory_space<vmem>> -> memref<8x384xf32, #tpu.memory_space<vmem>>
        %dma_start3A_382 = arith.constant 0 : i32
        %dma_start3A_383 = tpu.memref_slice %arg6[%add3A_379, %dma_start3A_382] : memref<1152x384xf32, #tpu.memory_space<hbm>> -> memref<8x384xf32, #tpu.memory_space<hbm>>
        %dma_start3A_384 = arith.constant 0 : i32
        %dma_start3A_385 = tpu.memref_slice %arg6[%add3A_379, %dma_start3A_384] : memref<1152x384xf32, #tpu.memory_space<hbm>> -> memref<8x384xf32, #tpu.memory_space<hbm>>
        %dma_start3A_386 = arith.constant 32 : i32
        %dma_start3A_387 = arith.constant 0 : i32
        %dma_start3A_388 = tpu.memref_slice %arg8[%dma_start3A_386, %dma_start3A_387] : memref<40x384xf32, #tpu.memory_space<vmem>> -> memref<8x384xf32, #tpu.memory_space<vmem>>
        tpu.enqueue_dma source(%dma_start3A_388 : memref<8x384xf32, #tpu.memory_space<vmem>>) target(%dma_start3A_385 : memref<8x384xf32, #tpu.memory_space<hbm>>) target_semaphore(%run_scoped3A : memref<!tpu.dma_semaphore, #tpu.memory_space<semaphore_mem>>)
        %dma_wait3A = arith.constant 32 : i32
        %dma_wait3A_389 = arith.constant 0 : i32
        %dma_wait3A_390 = tpu.memref_slice %arg8[%dma_wait3A, %dma_wait3A_389] : memref<40x384xf32, #tpu.memory_space<vmem>> -> memref<8x384xf32, #tpu.memory_space<vmem>>
        %dma_wait3A_391 = arith.constant 0 : i32
        %dma_wait3A_392 = tpu.memref_slice %arg6[%add3A_379, %dma_wait3A_391] : memref<1152x384xf32, #tpu.memory_space<hbm>> -> memref<8x384xf32, #tpu.memory_space<hbm>>
        %dma_wait3A_393 = arith.constant 0 : i32
        %dma_wait3A_394 = tpu.memref_slice %arg6[%add3A_379, %dma_wait3A_393] : memref<1152x384xf32, #tpu.memory_space<hbm>> -> memref<8x384xf32, #tpu.memory_space<hbm>>
        %dma_wait3A_395 = arith.constant 32 : i32
        %dma_wait3A_396 = arith.constant 0 : i32
        %dma_wait3A_397 = tpu.memref_slice %arg8[%dma_wait3A_395, %dma_wait3A_396] : memref<40x384xf32, #tpu.memory_space<vmem>> -> memref<8x384xf32, #tpu.memory_space<vmem>>
        tpu.wait_dma2 semaphore(%run_scoped3A : memref<!tpu.dma_semaphore, #tpu.memory_space<semaphore_mem>>) src(%dma_wait3A_397 : memref<8x384xf32, #tpu.memory_space<vmem>>) dst(%dma_wait3A_394 : memref<8x384xf32, #tpu.memory_space<hbm>>)
        tpu.yield
      }) : () -> ()
    } else {
    }
    return
  }
}

</mosaic_0001>

<sc_bundles>
// kernel: kernel.3.cloned.1.call-start
scs
__scs_entry_jumppad:
0x0: {  	(pc) =	sbr.rel $0x88, $3  }
0x1: {  	(tag) =	ssettag $0x0;
	lr =	simm.s32 $0x1  }
0x2: {  	[smem:$0x3F9D] =	sst lr;
	_ =	strace $0xD0000000  }
0x3: {  	_ = 	snop  }
0x4: {  	_ = 	snop  }
0x5: {  	_ = 	snop  }
0x6: {  	_ = 	snop  }
0x7: {  	_ = 	snop  }
__scs_overlays_trampoline_lowered:
0x8: {  	[smem:$0x3FAC] =	sst s0  }
0x9: {  	[smem:$0x3FAD] =	sst s1  }
0xa: {  	[smem:$0x3FAE] =	sst s2  }
0xb: {  	[smem:$0x3FAF] =	sst s3  }
0xc: {  	[smem:$0x3FB0] =	sst s4  }
0xd: {  	[smem:$0x3FB1] =	sst s5  }
0xe: {  	[smem:$0x3FB2] =	sst s6  }
0xf: {  	[smem:$0x3FB3] =	sst s7  }
0x10: {  	[smem:$0x3FB4] =	sst s8  }
0x11: {  	[smem:$0x3FB5] =	sst s9;
	s0 =	simm.s32 @!p0 $0x0  }
0x12: {  	s1 =	sld [smem:$0x3F9B];
	s0 =	simm.s32 @p0 $0x1  }
0x13: {  	[smem:$0x3FB6] =	sst s0;
	s0 =	simm.s32 @!p1 $0x0  }
0x14: {  	s2 =	sld [smem:$0x3F9A];
	s0 =	simm.s32 @p1 $0x1  }
0x15: {  	[smem:$0x3FB7] =	sst s0;
	s0 =	simm.s32 @!p2 $0x0  }
0x16: {  	s3 =	sld [smem:$0x3FDB];
	s0 =	simm.s32 @p2 $0x1  }
0x17: {  	s4 =	simm.s32 $0x1BF5;
	[smem:$0x3FB9] =	sst s0  }
0x18: {  	s0 =	sld [smem:$0x3F9C];
	_ =	swait.ge [sflag:s4], $0x0  }
0x19: {  	s7 =	sld [smem:$0x3F9D]  }
0x1a: {  	s8 =	sadd.s32 $0xFFFFE003, lr  }
0x1b: {  	s9 =	sadd.s32 $0xFFFFFEF7, lr;
	s5 =	simm.s32 $0xFFFFFFFF;
	p2 =	slt.u32 s8, $0xFFFFF086  }
0x1c: {  	p1 =	slt.u32 s9, $0xF7A;
	s5 =	simm.s32 @!p2 $0x0  }
0x1d: {  	s5 =	simm.s32 @p1 $0x1;
	p0 =	seq.s32 s7, s2  }
0x1e: {  	s7 =	smul.u32 @!p0 $0xF7A, s2;
	p2 =	seq.s32 @!p0 s5, $0x0  }
0x1f: {  	s9 =	smul.u32 $0xF7A, s1;
	s8 =	simm.s32 @!p0 $0x1BF5;
	p2 =	por !p2, p0  }
0x20: {  	[sflag:s8] =	ssyncset.s32 @!p0 $0xFFFFF086;
	s6 =	sadd.s32 @!p0 s3, s7;
	s7 =	simm.s32 @!p0 $0x108  }
0x21: {  	s3 =	sadd.s32 s3, s9;
	s6 =	sadd.s32 @!p0 $0x88, s6;
	s7 =	simm.s32 @p2 $0x1082  }
0x22: {  	[simem:s7], [sflag:s8] =	dma.local @!p0 [hbm:s6], $0xF7A  }
0x23: {  	s9 =	sor.u32 $0xD0000000, s2;
	s6 =	simm.s32 $0x108;
	_ =	swait.ge @!p0 [sflag:s8], $0x0  }
0x24: {  	s3 =	sadd.s32 $0x88, s3;
	s6 =	simm.s32 @!p1 $0x1082;
	[sflag:s4] =	ssyncset.s32 $0xFFFFF086  }
0x25: {  	[simem:s6], [sflag:s4] =	dma.local [hbm:s3], $0xF7A  }
0x26: {  	[smem:$0x3F9D] =	sst s1;
	(tag) =	ssettag s2;
	_ =	strace s9  }
0x27: {  	s1 =	sld [smem:$0x3FAD]  }
0x28: {  	s2 =	sld [smem:$0x3FAE]  }
0x29: {  	s4 =	sld [smem:$0x3FB0]  }
0x2a: {  	p0 =	seq.s32 s5, $0x0;
	s5 =	sld [smem:$0x3FB1]  }
0x2b: {  	s6 =	sld [smem:$0x3FB2]  }
0x2c: {  	s7 =	sld [smem:$0x3FB3]  }
0x2d: {  	s3 =	simm.s32 $0x108;
	s8 =	sld [smem:$0x3FB4]  }
0x2e: {  	s3 =	simm.s32 @!p0 $0x1082;
	s9 =	sld [smem:$0x3FB5]  }
0x2f: {  	lr =	sadd.s32 s0, s3;
	s0 =	sld [smem:$0x3FAC]  }
0x30: {  	s3 =	sld [smem:$0x3FAF]  }
0x31: {  	[smem:$0x3FB8] =	sst s10  }
0x32: {  	s10 =	sld [smem:$0x3FB6];
	_ =	sdelay $0x3  }
0x33: {  	p0 =	seq.s32 s10, $0x1;
	s10 =	sld [smem:$0x3FB8];
	_ =	sdelay $0x3  }
0x34: {  	[smem:$0x3FB8] =	sst s10  }
0x35: {  	s10 =	sld [smem:$0x3FB7];
	_ =	sdelay $0x3  }
0x36: {  	p1 =	seq.s32 s10, $0x1;
	s10 =	sld [smem:$0x3FB8];
	_ =	sdelay $0x3  }
0x37: {  	[smem:$0x3FB8] =	sst s10  }
0x38: {  	s10 =	sld [smem:$0x3FB9]  }
0x39: {  	_ = 	snop;
	(pc) =	sbr.ind lr, $3  }
0x3a: {  	_ = 	snop  }
0x3b: {  	_ = 	snop  }
0x3c: {  	p2 =	seq.s32 s10, $0x1;
	s10 =	sld [smem:$0x3FB8]  }
0x3d: {  	_ =	shalt  }
0x3e: {  	_ =	shalt  }
0x3f: {  	_ =	shalt  }
0x40: {  	_ =	shalt  }
0x41: {  	_ =	shalt  }
0x42: {  	_ =	shalt  }
0x43: {  	_ =	shalt  }
0x44: {  	_ =	shalt  }
0x45: {  	_ =	shalt  }
0x46: {  	_ =	shalt  }
0x47: {  	_ =	shalt  }
0x48: {  	_ =	shalt  }
0x49: {  	_ =	shalt  }
0x4a: {  	_ =	shalt  }
0x4b: {  	_ =	shalt  }
0x4c: {  	_ =	shalt  }
0x4d: {  	_ =	shalt  }
0x4e: {  	_ =	shalt  }
0x4f: {  	_ =	shalt  }
0x50: {  	_ =	shalt  }
0x51: {  	_ =	shalt  }
0x52: {  	_ =	shalt  }
0x53: {  	_ =	shalt  }
0x54: {  	_ =	shalt  }
0x55: {  	_ =	shalt  }
0x56: {  	_ =	shalt  }
0x57: {  	_ =	shalt  }
0x58: {  	_ =	shalt  }
0x59: {  	_ =	shalt  }
0x5a: {  	_ =	shalt  }
0x5b: {  	_ =	shalt  }
0x5c: {  	_ =	shalt  }
0x5d: {  	_ =	shalt  }
0x5e: {  	_ =	shalt  }
0x5f: {  	_ =	shalt  }
0x60: {  	_ =	shalt  }
0x61: {  	_ =	shalt  }
0x62: {  	_ =	shalt  }
0x63: {  	_ =	shalt  }
0x64: {  	_ =	shalt  }
0x65: {  	_ =	shalt  }
0x66: {  	_ =	shalt  }
0x67: {  	_ =	shalt  }
0x68: {  	_ =	shalt  }
0x69: {  	_ =	shalt  }
0x6a: {  	_ =	shalt  }
0x6b: {  	_ =	shalt  }
0x6c: {  	_ =	shalt  }
0x6d: {  	_ =	shalt  }
0x6e: {  	_ =	shalt  }
0x6f: {  	_ =	shalt  }
0x70: {  	_ =	shalt  }
0x71: {  	_ =	shalt  }
0x72: {  	_ =	shalt  }
0x73: {  	_ =	shalt  }
0x74: {  	_ =	shalt  }
0x75: {  	_ =	shalt  }
0x76: {  	_ =	shalt  }
0x77: {  	_ =	shalt  }
0x78: {  	_ =	shalt  }
0x79: {  	_ =	shalt  }
0x7a: {  	_ =	shalt  }
0x7b: {  	_ =	shalt  }
0x7c: {  	_ =	shalt  }
0x7d: {  	_ =	shalt  }
0x7e: {  	_ =	shalt  }
0x7f: {  	_ =	shalt  }
0x80: {  	_ =	shalt  }
0x81: {  	_ =	shalt  }
0x82: {  	_ =	shalt  }
0x83: {  	_ =	shalt  }
0x84: {  	_ =	shalt  }
0x85: {  	_ =	shalt  }
0x86: {  	_ =	shalt  }
0x87: {  	_ =	shalt  }
.Lfunc_end0:
.L_simem_size_0:
called_computation_lowered:
.L_overlay_start_0:
0x88: {  	s2 =	sld [smem:$0x3FD9]  }
0x89: {  	s3 =	sld [smem:$0x3FFE];
	_ =	sdelay $0x1  }
0x8a: {  	s1 =	srdreg.scid  }
0x8b: {  	s0 =	sand.u32 $0x1, s1  }
0x8c: {  	s18 =	sshll.u32 s0, $0xA;
	s2 =	sadd.s32 s3, s2  }
0x8d: {  	s2 =	sadd.s32 s2, s18  }
0x8e: {  	[smem:$0x3FC4] =	sst s2  }
0x8f: {  	_ = 	snop  }
0x90: {  	s2 =	sld [smem:$0x3FC9]  }
0x91: {  	s19 =	sld [smem:$0x3FC8]  }
0x92: {  	s4 =	sld [smem:$0x3FC7]  }
0x93: {  	s5 =	sld [smem:$0x3FC6]  }
0x94: {  	s6 =	sld [smem:$0x3FD0];
	(tm) =	ssettm $0x1  }
0x95: {  	s7 =	sld [smem:$0x3FFB];
	_ =	sdelay $0x3  }
0x96: {  	_ =	strace s7  }
0x97: {  	s7 =	sld [smem:$0x3FFC];
	_ =	sdelay $0x3  }
0x98: {  	_ =	strace s7  }
0x99: {  	s7 =	sld [smem:$0x3FFD];
	_ =	sdelay $0x3  }
0x9a: {  	_ =	strace s7  }
0x9b: {  	_ =	strace $0x8FFFFFFF  }
0x9c: {  	s20 =	sld [smem:$0x3FDB];
	_ =	sdelay $0x1  }
0x9d: {  	s8 =	simm.s32 $_scs_section_size  }
0x9e: {  	s9 =	simm.s32 $_size__tile_overlayer_lowered;
	s10 =	simm.s32 $_tile_overlayer_lowered  }
0x9f: {  	s23 =	simm.s32 $0x1BFF;
	s22 =	sshll.u32 s10, $0x1;
	s7 =	sadd.s32 s8, s20  }
0xa0: {  	s11 =	simm.s32 $0x0;
	s21 =	sshll.u32 s9, $0x1;
	s9 =	sadd.s32 s22, s7  }
0xa1: {  	[timem:s11], [sflag:s23] =	dma.local [hbm:s9], s21  }
0xa2: {  	_ =	swait.ge [sflag:s23], s21  }
0xa3: {  	s8 =	ssub.s32 $0x0, s21;
	[sflag:s23] =	ssyncset.done $0x0  }
0xa4: {  	[sflag:s23] =	ssyncadd.s32 s8;
	_ =	sdelay $0x1  }
0xa5: {  	s24 =	simm.s32 $0x1B8B  }
0xa6: {  	_ =	swait.ge [sflag:s24], $0x1  }
0xa7: {  	[sflag:s24] =	ssyncset.done $0x0  }
0xa8: {  	s25 =	simm.s32 $0x1B8E;
	[sflag:s24] =	ssyncadd.s32 $0xFFFFFFFF  }
0xa9: {  	s26 =	simm.s32 $execute0_lowered;
	[smem:$0x3FD2] =	sst s25  }
0xaa: {  	s8 =	sshll.u32 s26, $0x1;
	_ =	strace $0x80000046;
	[dreg:$0x1] =	wrdreg $0xFFFFFFFF  }
0xab: {  	s28 =	simm.s32 $_size_execute0_lowered;
	s7 =	sadd.s32 s7, s8;
	[dreg:$0x0] =	wrdreg $0x0  }
0xac: {  	s8 =	sshll.u32 s28, $0x1;
	[dreg:$0x2] =	wrdreg s7  }
0xad: {  	[dreg:$0x3] =	wrdreg s8  }
0xae: {  	[dreg:$0x4] =	wrdreg $0xC0  }
0xaf: {  	_ =	task [dreg:s11], $0x5FFFF  }
0xb0: {  	[dreg:$0x1] =	wrdreg $0xFFFFFFFF  }
0xb1: {  	[dreg:$0x0] =	wrdreg $0x60  }
0xb2: {  	[dreg:$0x2] =	wrdreg s2  }
0xb3: {  	[dreg:$0x3] =	wrdreg s19  }
0xb4: {  	[dreg:$0x4] =	wrdreg s4  }
0xb5: {  	[dreg:$0x5] =	wrdreg s5  }
0xb6: {  	[dreg:$0x6] =	wrdreg s6  }
0xb7: {  	[dreg:$0x7] =	wrdreg $0x9  }
0xb8: {  	_ =	task.clear_ibuf [dreg:s11], $0x8FFFF;
	_ =	strace $0x90000046  }
0xb9: {  	s29 =	simm.s32 $0x9;
	_ =	strace $0x80000048  }
0xba: {  	_ =	swait.ge [sflag:s29], $0x1  }
0xbb: {  	[sflag:s29] =	ssyncadd.s32 $0xFFFFFFFF  }
0xbc: {  	_ =	strace $0x90000048  }
0xbd: {  	_ =	sfence  }
0xbe: {  	s30 =	sld [smem:$0x0];
	_ =	sdelay $0x2  }
0xbf: {  	s31 =	sshll.u32 s1, $0xD;
	s1 =	sshrl.u32 s1, $0x2  }
0xc0: {  	s3 =	sand.u32 $0x4000, s31;
	s1 =	sadd.s32 s1, s30  }
0xc1: {  	s0 =	sor.u32 s3, s0;
	s1 =	sshll.u32 s1, $0x11  }
0xc2: {  	s0 =	sor.u32 s1, s0  }
0xc3: {  	s0 =	sadd.s32 $0x8F2B, s0  }
0xc4: {  	[sflag:s0] =	ssyncadd.remote.s32 $0x1  }
0xc5: {  	_ =	sfence.sel $0xFFFF  }
0xc6: {  	[dreg:$0x0] =	wrdreg $0xFFFFFFFF;
	(pc) =	sbr.abs _section_cstart, $3  }
0xc7: {  	[dreg:$0x1] =	wrdreg $0xFFFFFFFF  }
0xc8: {  	_ =	task.clear_ibuf [dreg:s11], $0x2FFFF;
	_ =	strace $0x9FFFFFFF  }
0xc9: {  	(tm) =	ssettm $0x7FFFFFFF  }
tec
execute0_lowered:
.L_overlay_start_1:
0x0: {  	(tag) =	ssettag $0x1  }
0x1: {  	s7 =	rddreg [dreg:$0x0]  }
0x2: {  	s2 =	srdreg.scid;
	s0 =	stileid.u32  }
0x3: {  	s1 =	rddreg [dreg:$0x1];
	s6 =	sand.u32 $0x1, s2;
	s3 =	sshll.u32 s0, $0x1  }
0x4: {  	s9 =	rddreg [dreg:$0x4];
	s4 =	sor.u32 s6, s3  }
0x5: {  	s2 =	rddreg [dreg:$0x2];
	s5 =	smul.u32 $0x28, s4;
	s4 =	sshll.u32 s4, $0x5  }
0x6: {  	v0 =	vimm.s32 $0xEDCBA987;
	p0 =	slt.u32 s0, $0x8;
	s3 =	rddreg [dreg:$0x3];
	s8 =	sadd.s32 $0x80, s4  }
0x7: {  	v3 =	vunpack.c.l.s4.s8 v0;
	v0 =	vlaneseq.u32;
	s8 =	smov.u32 @p0 s5;
	s10 =	sshrl.u32 s5, $0x3;
	s5 =	simm.s32 $0x0  }
0x8: {  	v1 =	vimm.s32 $0x65432100;
	v61 =	vadd.s32 $0x3F, v0;
	[smem:$0x7FF] =	sst s5  }
0x9: {  	v5 =	vunpack.c.l.s4.s8 v1;
	v62 =	vadd.s32 $0x4F, v0;
	s4 =	rddreg [dreg:$0x5];
	_ =	strace $0x80000047;
	[tilespmem:$0x1FF60] =	vst v61  }
0xa: {  	v63 =	vadd.s32 $0x5F, v0;
	v7 =	vunpack.c.0.s8.s32 v3;
	[tilespmem:$0x1FF70] =	vst v62  }
0xb: {  	v2 =	vor.u32 $0x10, v0;
	v8 =	vunpack.c.0.s8.s32 v5;
	[tilespmem:$0x1FF80] =	vst v63  }
0xc: {  	v3 =	vor.u32 $0x20, v0;
	v9 =	vand.u32 $0xF, v7;
	[tilespmem:$0x1FFA0] =	vst v2  }
0xd: {  	v4 =	vor.u32 $0x30, v0;
	v8 =	vcombine.low v8, v9;
	[tilespmem:$0x1FFB0] =	vst v3  }
0xe: {  	[tilespmem:$0x1FFC0] =	vst v4  }
0xf: {  	[tilespmem:$0x1FF10] =	vst v8;
	v8 =	vadd.s32 $0xF, v0  }
0x10: {  	vm0 =	vmmov $0x1;
	v5 =	vor.u32 $0x40, v0;
	[tilespmem:$0x1FF20] =	vst v8;
	v8 =	vimm.s32 $0x0  }
0x11: {  	s12 =	simm.s32 $0x1;
	s13 =	simm.s32 $0x7980;
	s14 =	simm.s32 $0x7A00;
	[tilespmem:$0x1FFD0] =	vst v5;
	v8 =	vsel vm0, $0xFFFFFFFF, v8  }
0x12: {  	s15 =	simm.s32 $0x7880;
	s16 =	simm.s32 $0x7900;
	s17 =	simm.s32 $0x3C00;
	[tilespmem:$0x1FF30] =	vst v8;
	v8 =	vadd.s32 $0x1F, v0  }
0x13: {  	s6 =	ssub.s32 $0x2, s6;
	s8 =	sshrl.u32 s8, $0x3;
	s10 =	smul.u32 $0x180, s10;
	[tilespmem:$0x1FF40] =	vst v8;
	v8 =	vadd.s32 $0x2F, v0  }
0x14: {  	s18 =	simm.s32 $0x0;
	v6 =	vor.u32 $0x50, v0;
	s11 =	sshrl.u32 s6, $0x1;
	s8 =	smul.u32 $0x180, s8;
	[tilespmem:$0x1FF50] =	vst v8;
	v8 =	vmul.u32 $0x8, v0  }
0x15: {  	s11 =	ssub.s32 s6, s11;
	v7 =	vor.u32 $0x60, v0;
	p0 =	sgt.u32 s0, $0x7;
	[tilespmem:$0x1FFE0] =	vst v6;
	s10 =	sadd.s32 $0x600, s10  }
0x16: {  	[tilespmem:$0x1FFF0] =	vst v7;
	s6 =	sadd.s32 s7, s8;
	s7 =	sadd.s32 s7, s10;
	s8 =	sadd.s32 s9, s8;
	v8 =	vor.u32 $0x7, v8  }
0x17: {  	v1 =	vimm.s32 $0x0;
	s9 =	sadd.s32 s9, s10;
	s10 =	smax.u32 s11, $0x1;
	s11 =	simm.s32 $0x7800;
	[tilespmem:$0x1FF90] =	vst v8  }
.LBB2_1:
0x18: {  	[tilespmem:s11], [sflag:$0x1] =	stream.linear.gather [hbm4b:s1+s5], $0x64, $0x38;
	[tilespmem:$0x7A80] =	vst v63  }
0x19: {  	_ =	swait.ge [sflag:s12], $0x64  }
0x1a: {  	[sflag:s12] =	ssyncset.done $0x0  }
0x1b: {  	[sflag:s12] =	ssyncadd.s32 $0xFFFFFF9C  }
0x1c: {  	[tilespmem:s13], [sflag:$0x1] =	stream.linear.gather [hbm4b:s2+s5], $0x65, $0x38;
	[tilespmem:$0x7A80] =	vst v63  }
0x1d: {  	_ =	swait.ge [sflag:s12], $0x65  }
0x1e: {  	[sflag:s12] =	ssyncset.done $0x0  }
0x1f: {  	[sflag:s12] =	ssyncadd.s32 $0xFFFFFF9B  }
0x20: {  	[tilespmem:s14], [sflag:$0x1] =	stream.linear.gather [hbm4b:s3+s5], $0x1, $0x38;
	[tilespmem:$0x7A80] =	vst v63  }
0x21: {  	_ =	swait.ge [sflag:s12], $0x1  }
0x22: {  	[sflag:s12] =	ssyncset.done $0x0  }
0x23: {  	[sflag:s12] =	ssyncadd.s32 $0xFFFFFFFF  }
0x24: {  	[tilespmem:s5], [sflag:$0x1] =	stream.linear.gather [hbm4b:s6+s5], $0x3000, $0x38;
	[tilespmem:$0x7A80] =	vst v63  }
0x25: {  	_ =	swait.ge [sflag:s12], $0x3000  }
0x26: {  	s19 =	simm.s32 @!p0 $0x0;
	[sflag:s12] =	ssyncset.done $0x0  }
0x27: {  	s20 =	simm.s32 @!p0 $0x3000;
	s29 =	simm.s32 $0x1;
	[sflag:s12] =	ssyncadd.s32 $0xFFFFD000  }
0x28: {  	[tilespmem:s20], [sflag:$0x1] =	stream.linear.gather @!p0 [hbm4b:s7+s19], $0xC00, $0x38;
	[tilespmem:$0x7A80] =	vst v63  }
0x29: {  	v8 =	vmov s29;
	s20 =	simm.s32 @!p0 $0x1  }
0x2a: {  	_ =	swait.ge @!p0 [sflag:s20], $0xC00  }
0x2b: {  	s30 =	simm.s32 $0x2;
	[sflag:s20] =	ssyncset.done @!p0 $0x0  }
0x2c: {  	s31 =	simm.s32 $0x3;
	v9 =	vmov s30;
	[sflag:s20] =	ssyncadd.s32 @!p0 $0xFFFFF400  }
0x2d: {  	v10 =	vmov s31;
	v20 =	vld [tilespmem:$0x7800]  }
0x2e: {  	v12 =	vimm.s32 $0x0;
	vm3 =	vlt.u32 v10, v3;
	v11 =	vld.idx.msk [tilespmem:v8+s11+$0x0], $0xffff  }
0x2f: {  	vm0 =	vlt.u32 v10, v5;
	vm4 =	vlt.u32 v8, v3;
	vm1 =	vlt.u32 v8, v7;
	v22 =	vld [tilespmem:$0x7830]  }
0x30: {  	vm8 =	vlt.u32 v9, v5;
	vm7 =	vlt.u32 v8, v4;
	v12 =	vsel vm0, $0xFFFFFFFF, v12;
	v21 =	vld [tilespmem:$0x7810]  }
0x31: {  	v15 =	vmov s5;
	vm6 =	vlt.u32 v8, v5;
	vm9 =	vlt.u32 v9, v4;
	[tilespmem:$0x1FEC0] =	vst v12;
	v12 =	vld.idx.msk [tilespmem:v9+s11+$0x0], $0xffff  }
0x32: {  	vm5 =	vlt.u32 v8, v2;
	vm11 =	vlt.u32 v9, v2;
	vm12 =	vlt.u32 v9, v6  }
0x33: {  	vm2 =	vlt.u32 v8, v0;
	vm13 =	vlt.u32 v8, v6;
	v23 =	vld [tilespmem:$0x7840];
	v8 =	vimm.s32 $0x0  }
0x34: {  	vm10 =	veq.f32 v11, v20;
	vm14 =	vlt.f32 v11, v20;
	vm15 =	veq.f32 v11, v22  }
0x35: {  	v24 =	vld [tilespmem:$0x7850];
	vm2 =	vmand vm2, vm10;
	vm10 =	vlt.u32 v9, v0;
	vm15 =	vmand vm7, vm15  }
0x36: {  	vm7 =	vlt.f32 v12, v20;
	vm0 =	vmor vm14, vm2;
	vm14 =	veq.f32 v11, v21  }
0x37: {  	v25 =	vld [tilespmem:$0x7820];
	v8 =	vsel vm0, $0xFFFFFFFF, v8;
	vm5 =	vmand vm5, vm14;
	vm14 =	veq.f32 v12, v20  }
0x38: {  	vm0 =	veq.f32 v12, v22;
	vm10 =	vmand vm10, vm14;
	vm14 =	veq.f32 v12, v23  }
0x39: {  	[tilespmem:$0x1FEE0] =	vst v8;
	vm9 =	vmand vm9, vm0;
	vm0 =	vlt.f32 v11, v22;
	v8 =	vimm.s32 $0x0  }
0x3a: {  	v26 =	vld [tilespmem:$0x7860];
	vm7 =	vmor vm7, vm10;
	vm10 =	vmand vm8, vm14;
	vm8 =	veq.f32 v12, v24  }
0x3b: {  	vm14 =	veq.f32 v12, v21;
	vm8 =	vmand vm12, vm8;
	vm12 =	vmor vm0, vm15  }
0x3c: {  	vm0 =	veq.f32 v11, v25;
	vm11 =	vmand vm11, vm14;
	vm14 =	veq.f32 v11, v24  }
0x3d: {  	vm15 =	vlt.u32 v9, v7;
	vm0 =	vmand vm4, vm0;
	vm4 =	veq.f32 v11, v23  }
0x3e: {  	vm13 =	vmand vm13, vm14;
	vm6 =	vmand vm6, vm4;
	vm4 =	vlt.f32 v11, v25  }
0x3f: {  	vm14 =	vlt.f32 v11, v23;
	vm4 =	vmor vm4, vm0;
	vm0 =	veq.f32 v11, v26  }
0x40: {  	vm14 =	vmor vm14, vm6;
	vm6 =	vlt.f32 v11, v26;
	vm0 =	vmand vm1, vm0  }
0x41: {  	vm1 =	vlt.u32 v9, v3;
	vm0 =	vmor vm6, vm0;
	vm6 =	vlt.f32 v11, v21  }
0x42: {  	v36 =	vsel vm14, $0x1, v1;
	vm5 =	vmor vm6, vm5;
	vm6 =	vlt.f32 v12, v21  }
0x43: {  	v27 =	vsel vm0, $0x1, v1;
	vm0 =	veq.f32 v12, v25;
	vm6 =	vmor vm6, vm11  }
0x44: {  	v9 =	vld.idx.msk [tilespmem:v10+s11+$0x0], $0xffff;
	v30 =	vsel vm5, $0x1, v1;
	vm5 =	vlt.f32 v12, v23;
	vm0 =	vmand vm1, vm0  }
0x45: {  	vm1 =	veq.f32 v12, v26;
	vm5 =	vmor vm5, vm10;
	vm10 =	vlt.f32 v12, v25  }
0x46: {  	vm1 =	vmand vm15, vm1;
	vm15 =	vlt.u32 v10, v7;
	vm2 =	vmor vm10, vm0  }
0x47: {  	vm10 =	vlt.f32 v12, v22;
	v32 =	vsel vm5, $0x1, v1;
	vm5 =	vlt.f32 v11, v24  }
0x48: {  	vm11 =	vmor vm10, vm9;
	vm9 =	vlt.f32 v12, v26;
	vm5 =	vmor vm5, vm13  }
0x49: {  	vm10 =	vlt.u32 v10, v6;
	vm13 =	veq.f32 v9, v24;
	vm1 =	vmor vm9, vm1  }
0x4a: {  	v40 =	vsel vm5, $0x1, v1;
	vm5 =	vlt.f32 v12, v24;
	vm10 =	vmand vm10, vm13  }
0x4b: {  	vm13 =	vlt.f32 v9, v24;
	vm5 =	vmor vm5, vm8;
	vm8 =	vlt.u32 v10, v4  }
0x4c: {  	vm10 =	vmor vm13, vm10;
	v39 =	vsel vm5, $0x1, v1;
	vm5 =	veq.f32 v9, v22  }
0x4d: {  	vm13 =	vlt.u32 v10, v0;
	vm8 =	vmand vm8, vm5;
	vm5 =	veq.f32 v9, v20  }
0x4e: {  	vm9 =	vlt.u32 v10, v2;
	vm13 =	vmand vm13, vm5;
	vm5 =	veq.f32 v9, v25  }
0x4f: {  	v38 =	vsel vm1, $0x1, v1;
	vm1 =	vlt.f32 v9, v22;
	vm0 =	vmand vm3, vm5  }
0x50: {  	v10 =	vimm.s32 $0x0;
	vm3 =	veq.f32 v9, v26;
	v8 =	vsel vm0, $0xFFFFFFFF, v8  }
0x51: {  	vm0 =	vmor vm1, vm8;
	vm8 =	vlt.f32 v9, v20;
	vm14 =	vmand vm15, vm3  }
0x52: {  	vm3 =	veq.f32 v9, v21;
	vm15 =	vlt.f32 v9, v23;
	vm1 =	vlt.f32 v9, v25  }
0x53: {  	[tilespmem:$0x1FEF0] =	vst v8;
	v8 =	vsel vm11, $0x1, v1;
	v10 =	vsel vm1, $0xFFFFFFFF, v10;
	vm1 =	vlt.u32 v15, v3  }
0x54: {  	vm11 =	vmand vm9, vm3;
	vm9 =	vlt.f32 v9, v26;
	[tilespmem:$0x1FF00] =	vst v10;
	v10 =	vimm.s32 $0x0  }
0x55: {  	vm3 =	veq.f32 v9, v23;
	v10 =	vsel vm1, $0xFFFFFFFF, v10;
	vm1 =	vlt.f32 v9, v21;
	v9 =	vld [tilespmem:$0x1FEC0];
	_ =	sdelay $0x3  }
0x56: {  	v37 =	vimm.s32 $0x0;
	v35 =	vimm.s32 $0x0;
	v34 =	vimm.s32 $0x0  }
0x57: {  	v31 =	vimm.s32 $0x0;
	v13 =	vsel vm4, $0x1, v1;
	vm4 =	vnez.u8 v9  }
0x58: {  	v42 =	vld.idx.msk [tilespmem:v15+s11+$0x0], $0xffff;
	v9 =	vimm.s32 $0x0;
	vm3 =	vmand vm4, vm3;
	vm4 =	vlt.u32 v15, v6  }
0x59: {  	v33 =	vimm.s32 $0x0;
	v29 =	vimm.s32 $0x0;
	v9 =	vsel vm4, $0xFFFFFFFF, v9  }
0x5a: {  	v28 =	vimm.s32 $0x0;
	v17 =	vsel vm7, $0x1, v1;
	vm7 =	vlt.u32 v15, v2;
	[tilespmem:$0x1FED0] =	vst v9;
	v9 =	vld [tilespmem:$0x1FEE0]  }
0x5b: {  	v11 =	vsel vm12, $0x1, v1;
	v14 =	vsel vm2, $0x1, v1;
	v41 =	vsel vm10, $0x1, v1;
	v19 =	vld [tilespmem:$0x1FEF0]  }
0x5c: {  	vm12 =	vmor vm8, vm13;
	v12 =	vsel vm0, $0x1, v1;
	vm0 =	vlt.u32 v15, v0  }
0x5d: {  	vm8 =	veq.f32 v42, v20;
	vm13 =	veq.f32 v42, v23;
	vm5 =	vmor vm9, vm14  }
0x5e: {  	vm9 =	veq.f32 v42, v25;
	vm0 =	vmand vm0, vm8;
	vm14 =	vlt.f32 v42, v20  }
0x5f: {  	v18 =	vsel vm12, $0x1, v1;
	[tilespmem:$0x1FEB0] =	vst v10;
	v10 =	vsel vm6, $0x1, v1;
	vm4 =	vnez.u8 v9  }
0x60: {  	vm1 =	vmor vm1, vm11;
	v43 =	vsel vm4, $0x1, v1;
	vm4 =	vnez.u8 v19;
	v19 =	vld [tilespmem:$0x1FF00]  }
0x61: {  	vm6 =	vlt.u32 v15, v7;
	vm11 =	veq.f32 v42, v22;
	v16 =	vsel vm1, $0x1, v1  }
0x62: {  	vm2 =	vmor vm15, vm3;
	vm3 =	vlt.u32 v15, v5;
	vm15 =	vlt.u32 v15, v4  }
0x63: {  	v15 =	vsel vm2, $0x1, v1;
	vm2 =	veq.f32 v42, v21;
	vm1 =	vmand vm15, vm11  }
0x64: {  	vm11 =	vlt.f32 v42, v24;
	vm15 =	veq.f32 v42, v24;
	vm8 =	vmand vm7, vm2  }
0x65: {  	vm7 =	vlt.f32 v42, v23;
	v9 =	vsel vm5, $0x1, v1;
	vm5 =	vnez.u8 v19  }
0x66: {  	s19 =	simm.s32 $0x4;
	vm2 =	vlt.f32 v42, v22;
	vm12 =	vmor vm5, vm4;
	vm5 =	veq.f32 v42, v26  }
.LBB2_2:
0x67: {  	vm3 =	vmand vm3, vm13;
	vm0 =	vmor vm14, vm0;
	vm5 =	vmand vm6, vm5  }
0x68: {  	vm1 =	vmor vm2, vm1;
	v45 =	vsel vm0, $0x1, v1;
	vm0 =	vlt.f32 v42, v21  }
0x69: {  	vm3 =	vmor vm7, vm3;
	vm0 =	vmor vm0, vm8;
	vm8 =	vlt.f32 v42, v26  }
0x6a: {  	v62 =	vsel vm1, $0x1, v1;
	v59 =	vsel vm3, $0x1, v1;
	vm5 =	vmor vm8, vm5  }
0x6b: {  	v33 =	vadd.s32 v62, v33;
	v29 =	vadd.s32 v59, v29;
	v63 =	vsel vm5, $0x1, v1  }
0x6c: {  	s20 =	smov.u32 s19;
	v19 =	vld [tilespmem:$0x1FEB0];
	v61 =	vsel vm0, $0x1, v1;
	v29 =	vadd.s32 v36, v29;
	v28 =	vadd.s32 v63, v28  }
0x6d: {  	s22 =	sadd.s32 $0x3, s20;
	v11 =	vadd.s32 v11, v33;
	v27 =	vadd.s32 v27, v28;
	v28 =	vadd.s32 v32, v29  }
0x6e: {  	v8 =	vadd.s32 v8, v11;
	v29 =	vadd.s32 v15, v28;
	v15 =	vmov s22  }
0x6f: {  	v33 =	vadd.s32 v12, v8;
	v8 =	vimm.s32 $0x0;
	vm0 =	vlt.u32 v15, v3  }
0x70: {  	vm10 =	vlt.f32 v42, v25;
	v8 =	vsel vm0, $0xFFFFFFFF, v8  }
0x71: {  	vm4 =	vnez.u8 v19;
	vm0 =	vlt.u32 v15, v5;
	[tilespmem:$0x1FE20] =	vst v8;
	v8 =	vimm.s32 $0x0  }
0x72: {  	vm9 =	vmand vm4, vm9;
	v11 =	vadd.s32 v38, v27;
	v8 =	vsel vm0, $0xFFFFFFFF, v8  }
0x73: {  	v28 =	vadd.s32 v9, v11;
	vm0 =	vlt.u32 v15, v7;
	[tilespmem:$0x1FE60] =	vst v8;
	v8 =	vimm.s32 $0x0  }
0x74: {  	v9 =	vimm.s32 $0x0;
	v8 =	vsel vm0, $0xFFFFFFFF, v8;
	vm0 =	vlt.u32 v15, v2  }
0x75: {  	vm6 =	vmor vm10, vm9;
	v9 =	vsel vm0, $0xFFFFFFFF, v9  }
0x76: {  	v58 =	vsel vm6, $0x1, v1;
	vm0 =	vlt.u32 v15, v4;
	[tilespmem:$0x1FE50] =	vst v9;
	v9 =	vimm.s32 $0x0  }
0x77: {  	v35 =	vadd.s32 v58, v35;
	v9 =	vsel vm0, $0xFFFFFFFF, v9  }
0x78: {  	s31 =	sadd.s32 $0x2, s20;
	v13 =	vadd.s32 v13, v35;
	vm0 =	vlt.u32 v15, v6;
	[tilespmem:$0x1FE00] =	vst v9;
	v9 =	vimm.s32 $0x0  }
0x79: {  	v13 =	vadd.s32 v14, v13;
	v14 =	vmov s31;
	v9 =	vsel vm0, $0xFFFFFFFF, v9  }
0x7a: {  	vm0 =	vlt.u32 v14, v3;
	[tilespmem:$0x1FDE0] =	vst v9;
	v9 =	vimm.s32 $0x0  }
0x7b: {  	v9 =	vsel vm0, $0xFFFFFFFF, v9  }
0x7c: {  	vm0 =	vlt.u32 v14, v7;
	[tilespmem:$0x1FD90] =	vst v9;
	v9 =	vimm.s32 $0x0  }
0x7d: {  	v9 =	vsel vm0, $0xFFFFFFFF, v9  }
0x7e: {  	s21 =	sadd.s32 $0x1, s20;
	vm0 =	vlt.u32 v15, v0;
	[tilespmem:$0x1FDA0] =	vst v9;
	v9 =	vimm.s32 $0x0  }
0x7f: {  	v27 =	vmov s21;
	v9 =	vsel vm0, $0xFFFFFFFF, v9  }
0x80: {  	vm0 =	vlt.u32 v27, v3;
	[tilespmem:$0x1FE10] =	vst v9;
	v9 =	vimm.s32 $0x0  }
0x81: {  	v9 =	vsel vm0, $0xFFFFFFFF, v9  }
0x82: {  	vm0 =	vlt.u32 v27, v7;
	[tilespmem:$0x1FD50] =	vst v9;
	v9 =	vimm.s32 $0x0  }
0x83: {  	v31 =	vadd.s32 v61, v31;
	v9 =	vsel vm0, $0xFFFFFFFF, v9  }
0x84: {  	v30 =	vadd.s32 v30, v31;
	vm0 =	vlt.u32 v14, v5;
	[tilespmem:$0x1FD80] =	vst v9;
	v9 =	vimm.s32 $0x0  }
0x85: {  	v10 =	vadd.s32 v10, v30;
	[tilespmem:$0x1FE30] =	vst v8;
	v9 =	vsel vm0, $0xFFFFFFFF, v9  }
0x86: {  	v31 =	vadd.s32 v16, v10;
	v8 =	vld.idx.msk [tilespmem:v27+s11+$0x0], $0xffff;
	vm0 =	vlt.u32 v27, v5;
	[tilespmem:$0x1FD30] =	vst v9;
	v9 =	vimm.s32 $0x0  }
0x87: {  	v10 =	vimm.s32 $0x0;
	v9 =	vsel vm0, $0xFFFFFFFF, v9;
	vm0 =	vlt.u32 v14, v2  }
0x88: {  	v10 =	vsel vm0, $0xFFFFFFFF, v10  }
0x89: {  	vm0 =	vlt.u32 v27, v6;
	[tilespmem:$0x1FD40] =	vst v10;
	v10 =	vimm.s32 $0x0  }
0x8a: {  	vm1 =	vlt.u32 v27, v0;
	[tilespmem:$0x1FD60] =	vst v9;
	v9 =	vld.idx.msk [tilespmem:v14+s11+$0x0], $0xffff;
	v10 =	vsel vm0, $0xFFFFFFFF, v10  }
0x8b: {  	vm5 =	veq.f32 v8, v20;
	vm0 =	vlt.f32 v8, v24;
	[tilespmem:$0x1FD70] =	vst v10;
	v10 =	vimm.s32 $0x0  }
0x8c: {  	vm3 =	vlt.f32 v8, v20;
	vm1 =	vmand vm1, vm5;
	v10 =	vsel vm0, $0xFFFFFFFF, v10  }
0x8d: {  	vm0 =	vmor vm3, vm1;
	[tilespmem:$0x1FDD0] =	vst v10;
	v10 =	vimm.s32 $0x0  }
0x8e: {  	vm7 =	vlt.u32 v27, v2;
	v10 =	vsel vm0, $0xFFFFFFFF, v10  }
0x8f: {  	v19 =	vld [tilespmem:$0x1FED0];
	vm1 =	veq.f32 v8, v21;
	vm0 =	veq.f32 v9, v26;
	[tilespmem:$0x1FE80] =	vst v10;
	v10 =	vimm.s32 $0x0  }
0x90: {  	vm6 =	vlt.u32 v14, v0;
	vm14 =	vmand vm7, vm1;
	v10 =	vsel vm0, $0xFFFFFFFF, v10  }
0x91: {  	vm3 =	vlt.f32 v9, v26;
	vm0 =	veq.f32 v9, v20;
	[tilespmem:$0x1FDB0] =	vst v10;
	v10 =	vimm.s32 $0x0  }
0x92: {  	vm1 =	vlt.f32 v9, v20;
	vm0 =	vmand vm6, vm0;
	v10 =	vsel vm3, $0xFFFFFFFF, v10  }
0x93: {  	vm0 =	vmor vm1, vm0;
	[tilespmem:$0x1FDC0] =	vst v10;
	v10 =	vimm.s32 $0x0  }
0x94: {  	vm4 =	vnez.u8 v19;
	v10 =	vsel vm0, $0xFFFFFFFF, v10  }
0x95: {  	vm4 =	vmand vm4, vm15;
	[tilespmem:$0x1FE70] =	vst v10;
	v10 =	vld [tilespmem:$0x1FD30]  }
0x96: {  	v44 =	vsel vm12, $0x1, v1;
	vm4 =	vmor vm11, vm4  }
0x97: {  	vm8 =	vlt.u32 v14, v4;
	vm12 =	vlt.u32 v14, v6;
	v60 =	vsel vm4, $0x1, v1  }
0x98: {  	vm4 =	vlt.u32 v27, v4;
	vm2 =	veq.f32 v8, v22;
	vm1 =	veq.f32 v9, v22  }
0x99: {  	vm4 =	vmand vm4, vm2;
	vm2 =	veq.f32 v9, v24;
	vm8 =	vmand vm8, vm1  }
0x9a: {  	vm1 =	vmand vm12, vm2;
	vm0 =	vnez.u8 v10;
	v10 =	vimm.s32 $0x0  }
0x9b: {  	vm3 =	vlt.f32 v8, v22;
	v10 =	vsel vm1, $0xFFFFFFFF, v10  }
0x9c: {  	vm1 =	vmor vm3, vm4;
	[tilespmem:$0x1FDF0] =	vst v10;
	v10 =	vimm.s32 $0x0  }
0x9d: {  	v10 =	vsel vm1, $0xFFFFFFFF, v10  }
0x9e: {  	[tilespmem:$0x1FE40] =	vst v10;
	v10 =	vld [tilespmem:$0x1FD40];
	_ =	sdelay $0x1  }
0x9f: {  	vm15 =	vlt.f32 v8, v25  }
0xa0: {  	vm9 =	veq.f32 v8, v24;
	vm10 =	vlt.f32 v8, v23;
	vm11 =	vlt.f32 v8, v26  }
0xa1: {  	vm5 =	veq.f32 v8, v25;
	vm7 =	veq.f32 v8, v26;
	vm6 =	veq.f32 v9, v23  }
0xa2: {  	vm0 =	vmand vm0, vm6;
	vm6 =	veq.f32 v9, v21;
	vm1 =	vnez.u8 v10  }
0xa3: {  	vm3 =	vlt.f32 v8, v21;
	vm1 =	vmand vm1, vm6;
	vm6 =	veq.f32 v8, v23;
	v8 =	vld [tilespmem:$0x1FD50];
	_ =	sdelay $0x4  }
0xa4: {  	vm2 =	vnez.u8 v8;
	v8 =	vld [tilespmem:$0x1FD60];
	_ =	sdelay $0x4  }
0xa5: {  	vm5 =	vmand vm2, vm5;
	vm2 =	vnez.u8 v8;
	v8 =	vld [tilespmem:$0x1FD70];
	_ =	sdelay $0x4  }
0xa6: {  	vm6 =	vmand vm2, vm6;
	vm2 =	vnez.u8 v8;
	v8 =	vld [tilespmem:$0x1FD80];
	_ =	sdelay $0x4  }
0xa7: {  	vm15 =	vmor vm15, vm5;
	vm5 =	vmor vm10, vm6;
	vm6 =	vnez.u8 v8;
	v8 =	vld [tilespmem:$0x1FD90];
	_ =	sdelay $0x3  }
0xa8: {  	vm3 =	vmor vm3, vm14  }
0xa9: {  	v30 =	vsel vm3, $0x1, v1;
	vm3 =	vnez.u8 v8;
	v8 =	vld [tilespmem:$0x1FDA0];
	_ =	sdelay $0x2  }
0xaa: {  	vm6 =	vmand vm6, vm7  }
0xab: {  	vm7 =	vlt.f32 v9, v23;
	vm6 =	vmor vm11, vm6  }
0xac: {  	v27 =	vsel vm6, $0x1, v1;
	vm6 =	vmor vm7, vm0;
	vm0 =	vnez.u8 v8;
	v8 =	vld [tilespmem:$0x1FDB0];
	_ =	sdelay $0x1  }
0xad: {  	vm12 =	vlt.f32 v9, v21  }
0xae: {  	vm11 =	vmor vm12, vm1;
	vm1 =	veq.f32 v9, v25  }
0xaf: {  	vm13 =	vlt.f32 v9, v25;
	vm1 =	vmand vm3, vm1  }
0xb0: {  	vm3 =	vmor vm13, vm1;
	vm1 =	vnez.u8 v8;
	v8 =	vld [tilespmem:$0x1FDC0];
	_ =	sdelay $0x4  }
0xb1: {  	vm9 =	vmand vm2, vm9;
	vm2 =	vnez.u8 v8;
	v8 =	vld [tilespmem:$0x1FDD0];
	_ =	sdelay $0x4  }
0xb2: {  	v32 =	vsel vm6, $0x1, v1;
	vm6 =	vnez.u8 v8;
	v8 =	vld [tilespmem:$0x1FDE0];
	_ =	sdelay $0x1  }
0xb3: {  	v12 =	vld.idx.msk [tilespmem:v15+s11+$0x0], $0xffff;
	_ =	sdelay $0x2  }
0xb4: {  	v34 =	vadd.s32 v60, v34;
	vm10 =	vnez.u8 v8;
	v8 =	vld [tilespmem:$0x1FDF0]  }
0xb5: {  	v34 =	vadd.s32 v40, v34;
	vm4 =	vlt.f32 v9, v22;
	vm1 =	vmand vm0, vm1  }
0xb6: {  	vm0 =	vmor vm4, vm8;
	vm8 =	veq.f32 v12, v24;
	vm6 =	vmor vm6, vm9  }
0xb7: {  	v40 =	vsel vm6, $0x1, v1;
	vm6 =	vlt.f32 v12, v24;
	vm8 =	vmand vm10, vm8  }
0xb8: {  	vm4 =	vmor vm2, vm1;
	vm10 =	vmor vm6, vm8  }
0xb9: {  	vm6 =	vlt.f32 v12, v25;
	vm2 =	vnez.u8 v8;
	v8 =	vimm.s32 $0x0  }
0xba: {  	v8 =	vsel vm6, $0xFFFFFFFF, v8  }
0xbb: {  	[tilespmem:$0x1FEA0] =	vst v8;
	v8 =	vld [tilespmem:$0x1FE00];
	_ =	sdelay $0x2  }
0xbc: {  	vm7 =	vlt.f32 v9, v24  }
0xbd: {  	v34 =	vadd.s32 v39, v34;
	v9 =	vmov s20;
	vm2 =	vmor vm7, vm2  }
0xbe: {  	v39 =	vsel vm2, $0x1, v1;
	vm2 =	veq.f32 v12, v22;
	vm6 =	vnez.u8 v8  }
0xbf: {  	v8 =	vimm.s32 $0x0;
	vm13 =	vmand vm6, vm2;
	vm2 =	vlt.u32 v9, v3  }
0xc0: {  	v8 =	vsel vm2, $0xFFFFFFFF, v8  }
0xc1: {  	vm2 =	vlt.u32 v9, v7;
	[tilespmem:$0x1FEB0] =	vst v8;
	v8 =	vimm.s32 $0x0  }
0xc2: {  	v8 =	vsel vm2, $0xFFFFFFFF, v8  }
0xc3: {  	[tilespmem:$0x1FE90] =	vst v8;
	v8 =	vld [tilespmem:$0x1FE10];
	_ =	sdelay $0x4  }
0xc4: {  	v38 =	vsel vm4, $0x1, v1;
	vm4 =	vnez.u8 v8;
	v8 =	vld [tilespmem:$0x1FE20];
	_ =	sdelay $0x3  }
0xc5: {  	v36 =	vsel vm5, $0x1, v1;
	vm5 =	veq.f32 v12, v20  }
0xc6: {  	vm12 =	veq.f32 v12, v25;
	vm4 =	vmand vm4, vm5;
	vm5 =	vnez.u8 v8  }
0xc7: {  	v8 =	vimm.s32 $0x0;
	vm12 =	vmand vm5, vm12;
	vm5 =	vlt.u32 v9, v6  }
0xc8: {  	v8 =	vsel vm5, $0xFFFFFFFF, v8  }
0xc9: {  	[tilespmem:$0x1FED0] =	vst v8;
	v8 =	vld [tilespmem:$0x1FE30];
	_ =	sdelay $0x3  }
0xca: {  	v35 =	vadd.s32 v44, v13;
	v13 =	vld [tilespmem:$0x1FE50]  }
0xcb: {  	vm5 =	vnez.u8 v8;
	v8 =	vld [tilespmem:$0x1FE40];
	_ =	sdelay $0x1  }
0xcc: {  	vm14 =	veq.f32 v12, v21;
	vm1 =	vlt.f32 v12, v20  }
0xcd: {  	vm9 =	vlt.f32 v12, v22;
	vm8 =	vlt.f32 v12, v23;
	vm6 =	veq.f32 v12, v26  }
0xce: {  	vm7 =	vlt.f32 v12, v26;
	vm2 =	vlt.f32 v12, v21;
	vm5 =	vmand vm5, vm6  }
0xcf: {  	vm6 =	vnez.u8 v8;
	v8 =	vsel vm0, $0x1, v1;
	vm0 =	vnez.u8 v13  }
0xd0: {  	v11 =	vsel vm6, $0x1, v1;
	vm6 =	vmand vm0, vm14;
	vm0 =	veq.f32 v12, v23;
	v12 =	vld [tilespmem:$0x1FE60];
	_ =	sdelay $0x3  }
0xd1: {  	v37 =	vadd.s32 v45, v37  }
0xd2: {  	v13 =	vsel vm15, $0x1, v1;
	vm15 =	vmor vm1, vm4;
	vm1 =	vnez.u8 v12;
	v12 =	vld [tilespmem:$0x1FE70]  }
0xd3: {  	v37 =	vadd.s32 v43, v37;
	v42 =	vld.idx.msk [tilespmem:v9+s11+$0x0], $0xffff  }
0xd4: {  	v17 =	vadd.s32 v17, v37  }
0xd5: {  	v37 =	vadd.s32 v18, v17  }
0xd6: {  	v34 =	vadd.s32 v41, v34;
	v10 =	vsel vm11, $0x1, v1;
	v14 =	vsel vm3, $0x1, v1  }
0xd7: {  	vm3 =	vlt.u32 v9, v5;
	vm0 =	vmand vm1, vm0;
	vm1 =	vnez.u8 v12;
	v12 =	vld [tilespmem:$0x1FE80]  }
0xd8: {  	vm11 =	veq.f32 v42, v21;
	v41 =	vsel vm10, $0x1, v1;
	vm10 =	vlt.u32 v9, v4  }
0xd9: {  	vm9 =	vmor vm9, vm13;
	vm13 =	veq.f32 v42, v23;
	vm5 =	vmor vm7, vm5  }
0xda: {  	vm7 =	vlt.f32 v42, v23;
	vm4 =	vlt.u32 v9, v2;
	vm14 =	vlt.f32 v42, v20  }
0xdb: {  	v19 =	vld [tilespmem:$0x1FEA0];
	v18 =	vsel vm15, $0x1, v1;
	vm15 =	veq.f32 v42, v24;
	vm2 =	vmor vm2, vm6  }
0xdc: {  	v16 =	vsel vm2, $0x1, v1;
	v17 =	vsel vm1, $0x1, v1;
	vm1 =	vnez.u8 v12  }
0xdd: {  	p1 =	slt.u32 s19, $0x60;
	vm0 =	vmor vm8, vm0;
	v43 =	vsel vm1, $0x1, v1;
	vm1 =	vlt.u32 v9, v0;
	v9 =	vld [tilespmem:$0x1FE90]  }
.Ltmp0:
0xde: {  	vm2 =	vlt.f32 v42, v22;
	vm8 =	veq.f32 v42, v20;
	v15 =	vsel vm0, $0x1, v1;
	(pc) =	sbr.rel @p1 .LBB2_2-.Ltmp0, $4  }
0xdf: {  	v12 =	vsel vm9, $0x1, v1;
	vm9 =	veq.f32 v42, v25;
	vm0 =	vmand vm1, vm8  }
0xe0: {  	vm1 =	veq.f32 v42, v22;
	vm8 =	vmand vm4, vm11;
	vm4 =	vnez.u8 v19  }
0xe1: {  	vm11 =	vlt.f32 v42, v24;
	vm1 =	vmand vm10, vm1;
	vm12 =	vmor vm4, vm12  }
0xe2: {  	s19 =	sadd.s32 $0x4, s19;
	vm6 =	vnez.u8 v9;
	v9 =	vsel vm5, $0x1, v1;
	vm5 =	veq.f32 v42, v26  }
0xe3: {  	vm3 =	vmand vm3, vm13;
	v44 =	vsel vm12, $0x1, v1  }
0xe4: {  	vm0 =	vmor vm14, vm0;
	v2 =	vld [tilespmem:$0x1FEB0];
	vm5 =	vmand vm6, vm5;
	vm14 =	vlt.f32 v42, v25  }
0xe5: {  	v60 =	vld [tilespmem:$0x1FED0];
	vm12 =	vlt.f32 v42, v21;
	vm13 =	vlt.f32 v42, v26;
	vm1 =	vmor vm2, vm1  }
0xe6: {  	v45 =	vsel vm0, $0x1, v1;
	vm8 =	vmor vm12, vm8;
	vm3 =	vmor vm7, vm3  }
0xe7: {  	v37 =	vadd.s32 v45, v37;
	v62 =	vsel vm3, $0x1, v1;
	v63 =	vsel vm8, $0x1, v1  }
0xe8: {  	v37 =	vadd.s32 v43, v37;
	v31 =	vadd.s32 v63, v31;
	v29 =	vadd.s32 v62, v29  }
0xe9: {  	v17 =	vadd.s32 v17, v37;
	v30 =	vadd.s32 v30, v31;
	vm4 =	vnez.u8 v2  }
0xea: {  	vm10 =	vnez.u8 v60;
	v2 =	vsel vm1, $0x1, v1;
	v10 =	vadd.s32 v10, v30  }
0xeb: {  	v17 =	vadd.s32 v18, v17;
	vm4 =	vmand vm4, vm9;
	vm6 =	vmand vm10, vm15  }
0xec: {  	v33 =	vadd.s32 v2, v33;
	v10 =	vadd.s32 v16, v10;
	vm0 =	vmor vm14, vm4  }
0xed: {  	vm14 =	vmor vm13, vm5;
	vm15 =	vmor vm11, vm6;
	v61 =	vsel vm0, $0x1, v1  }
0xee: {  	v11 =	vadd.s32 v11, v33;
	v46 =	vsel vm15, $0x1, v1;
	v35 =	vadd.s32 v61, v35  }
0xef: {  	v3 =	vsel vm14, $0x1, v1;
	v34 =	vadd.s32 v46, v34;
	v13 =	vadd.s32 v13, v35  }
0xf0: {  	v8 =	vadd.s32 v8, v11;
	v34 =	vadd.s32 v40, v34;
	v13 =	vadd.s32 v14, v13  }
0xf1: {  	v40 =	vimm.f32 $+Inf;
	v14 =	vadd.s32 v36, v29;
	v11 =	vadd.s32 v44, v13  }
0xf2: {  	v8 =	vadd.s32 v12, v8;
	[tilespmem:$0x78E0] =	vst v40;
	v13 =	vadd.s32 v3, v28;
	v14 =	vadd.s32 v32, v14  }
0xf3: {  	v12 =	vadd.s32 v39, v34;
	[tilespmem:$0x78F0] =	vst v40;
	v13 =	vadd.s32 v27, v13;
	v14 =	vadd.s32 v15, v14  }
0xf4: {  	v12 =	vadd.s32 v41, v12;
	[tilespmem:v17+s15+$0x0] =	vst.idx.msk $0xffff, v20;
	v41 =	vld [tilespmem:$0x1FF10];
	v13 =	vadd.s32 v38, v13  }
0xf5: {  	[tilespmem:v10+s15+$0x0] =	vst.idx.msk $0xffff, v21;
	v9 =	vadd.s32 v9, v13  }
0xf6: {  	[tilespmem:v11+s15+$0x0] =	vst.idx.msk $0xffff, v25  }
0xf7: {  	[tilespmem:v8+s15+$0x0] =	vst.idx.msk $0xffff, v22  }
0xf8: {  	[tilespmem:v14+s15+$0x0] =	vst.idx.msk $0xffff, v23  }
0xf9: {  	[tilespmem:v12+s15+$0x0] =	vst.idx.msk $0xffff, v24  }
0xfa: {  	[tilespmem:v9+s15+$0x0] =	vst.idx.msk $0xf, v26  }
0xfb: {  	v8 =	vld [tilespmem:$0x7880]  }
0xfc: {  	v9 =	vld.idx.msk [tilespmem:v41+s15+$0x0], $0xffff;
	_ =	sdelay $0x1  }
0xfd: {  	v10 =	vld [tilespmem:$0x7980];
	_ =	sdelay $0x2  }
0xfe: {  	v8 =	vsub.f32 v8, v9;
	_ =	sdelay $0x1  }
0xff: {  	v8 =	vmul.f32 v10, v8;
	_ =	sdelay $0x1  }
0x100: {  	(xrf2) =	vadd.scan.msk.f32 $0xffff, v8;
	_ =	sdelay $0x9  }
0x101: {  	v8, _, _ =	vpop (xrf2)  }
0x102: {  	v11 =	vld.msk [tilespmem:s14+$0x0], $0xffff;
	v8 =	vadd.f32 $0.0e+00, v8;
	_ =	sdelay $0x1  }
0x103: {  	v42 =	vld [tilespmem:$0x1FF20];
	v12 =	vperm.xlane v8, v41  }
0x104: {  	vm6 =	veq.s32 v0, $0x0  }
0x105: {  	v12 =	vsel vm6, $0x0, v12  }
0x106: {  	v9 =	vmul.f32 v10, v9;
	v12 =	vadd.f32 v12, v11;
	_ =	sdelay $0x1  }
0x107: {  	v9 =	vsub.f32 v12, v9;
	_ =	sdelay $0x1  }
0x108: {  	[tilespmem:$0x7900] =	vst v9;
	v9 =	vld [tilespmem:$0x7890]  }
0x109: {  	v10 =	vld.idx.msk [tilespmem:v42+s15+$0x0], $0xffff;
	_ =	sdelay $0x1  }
0x10a: {  	v12 =	vld [tilespmem:$0x7990];
	_ =	sdelay $0x2  }
0x10b: {  	v9 =	vsub.f32 v9, v10;
	_ =	sdelay $0x1  }
0x10c: {  	v9 =	vmul.f32 v12, v9;
	_ =	sdelay $0x1  }
0x10d: {  	(xrf2) =	vadd.scan.msk.f32 $0xffff, v9;
	_ =	sdelay $0x7  }
0x10e: {  	v43 =	vimm.s32 $0xF  }
0x10f: {  	v44 =	vld [tilespmem:$0x1FF30];
	v8 =	vperm.xlane v8, v43  }
0x110: {  	v9, _, _ =	vpop (xrf2)  }
0x111: {  	v9 =	vadd.f32 v9, v8;
	_ =	sdelay $0x1  }
0x112: {  	v45 =	vld [tilespmem:$0x1FF40];
	v13 =	vperm.xlane v9, v41  }
0x113: {  	vm7 =	vnez.u8 v44  }
0x114: {  	v8 =	vsel vm7, v8, v13  }
0x115: {  	v10 =	vmul.f32 v12, v10;
	v8 =	vadd.f32 v8, v11;
	_ =	sdelay $0x1  }
0x116: {  	v8 =	vsub.f32 v8, v10;
	_ =	sdelay $0x1  }
0x117: {  	[tilespmem:$0x7910] =	vst v8;
	v8 =	vld [tilespmem:$0x78A0]  }
0x118: {  	v10 =	vld.idx.msk [tilespmem:v45+s15+$0x0], $0xffff;
	_ =	sdelay $0x1  }
0x119: {  	v12 =	vld [tilespmem:$0x79A0];
	_ =	sdelay $0x2  }
0x11a: {  	v8 =	vsub.f32 v8, v10;
	_ =	sdelay $0x1  }
0x11b: {  	v8 =	vmul.f32 v12, v8;
	_ =	sdelay $0x1  }
0x11c: {  	(xrf2) =	vadd.scan.msk.f32 $0xffff, v8;
	_ =	sdelay $0x8  }
0x11d: {  	v8 =	vperm.xlane v9, v43  }
0x11e: {  	v9, _, _ =	vpop (xrf2)  }
0x11f: {  	v9 =	vadd.f32 v9, v8;
	_ =	sdelay $0x1  }
0x120: {  	v46 =	vld [tilespmem:$0x1FF50];
	v13 =	vperm.xlane v9, v41;
	_ =	sdelay $0x1  }
0x121: {  	v8 =	vsel vm7, v8, v13  }
0x122: {  	v10 =	vmul.f32 v12, v10;
	v8 =	vadd.f32 v8, v11;
	_ =	sdelay $0x1  }
0x123: {  	v8 =	vsub.f32 v8, v10;
	_ =	sdelay $0x1  }
0x124: {  	[tilespmem:$0x7920] =	vst v8;
	v8 =	vld [tilespmem:$0x78B0]  }
0x125: {  	v10 =	vld.idx.msk [tilespmem:v46+s15+$0x0], $0xffff;
	_ =	sdelay $0x1  }
0x126: {  	v12 =	vld [tilespmem:$0x79B0];
	_ =	sdelay $0x2  }
0x127: {  	v8 =	vsub.f32 v8, v10;
	_ =	sdelay $0x1  }
0x128: {  	v8 =	vmul.f32 v12, v8;
	_ =	sdelay $0x1  }
0x129: {  	(xrf2) =	vadd.scan.msk.f32 $0xffff, v8;
	_ =	sdelay $0x8  }
0x12a: {  	v8 =	vperm.xlane v9, v43  }
0x12b: {  	v9, _, _ =	vpop (xrf2)  }
0x12c: {  	v9 =	vadd.f32 v9, v8;
	_ =	sdelay $0x1  }
0x12d: {  	v47 =	vld [tilespmem:$0x1FF60];
	v13 =	vperm.xlane v9, v41;
	_ =	sdelay $0x1  }
0x12e: {  	v8 =	vsel vm7, v8, v13  }
0x12f: {  	v10 =	vmul.f32 v12, v10;
	v8 =	vadd.f32 v8, v11;
	_ =	sdelay $0x1  }
0x130: {  	v8 =	vsub.f32 v8, v10;
	_ =	sdelay $0x1  }
0x131: {  	[tilespmem:$0x7930] =	vst v8;
	v8 =	vld [tilespmem:$0x78C0]  }
0x132: {  	v10 =	vld.idx.msk [tilespmem:v47+s15+$0x0], $0xffff;
	_ =	sdelay $0x1  }
0x133: {  	v12 =	vld [tilespmem:$0x79C0];
	_ =	sdelay $0x2  }
0x134: {  	v8 =	vsub.f32 v8, v10;
	_ =	sdelay $0x1  }
0x135: {  	v8 =	vmul.f32 v12, v8;
	_ =	sdelay $0x1  }
0x136: {  	(xrf2) =	vadd.scan.msk.f32 $0xffff, v8;
	_ =	sdelay $0x8  }
0x137: {  	v8 =	vperm.xlane v9, v43  }
0x138: {  	v9, _, _ =	vpop (xrf2)  }
0x139: {  	v9 =	vadd.f32 v9, v8;
	_ =	sdelay $0x1  }
0x13a: {  	v48 =	vld [tilespmem:$0x1FF70];
	v13 =	vperm.xlane v9, v41;
	_ =	sdelay $0x1  }
0x13b: {  	v8 =	vsel vm7, v8, v13  }
0x13c: {  	v10 =	vmul.f32 v12, v10;
	v8 =	vadd.f32 v8, v11;
	_ =	sdelay $0x1  }
0x13d: {  	v8 =	vsub.f32 v8, v10;
	_ =	sdelay $0x1  }
0x13e: {  	[tilespmem:$0x7940] =	vst v8;
	v8 =	vld [tilespmem:$0x78D0]  }
0x13f: {  	v10 =	vld.idx.msk [tilespmem:v48+s15+$0x0], $0xffff;
	_ =	sdelay $0x1  }
0x140: {  	v12 =	vld [tilespmem:$0x79D0];
	_ =	sdelay $0x2  }
0x141: {  	v8 =	vsub.f32 v8, v10;
	_ =	sdelay $0x1  }
0x142: {  	v8 =	vmul.f32 v12, v8;
	_ =	sdelay $0x1  }
0x143: {  	(xrf2) =	vadd.scan.msk.f32 $0xffff, v8;
	_ =	sdelay $0x8  }
0x144: {  	v8 =	vperm.xlane v9, v43  }
0x145: {  	v9, _, _ =	vpop (xrf2)  }
0x146: {  	v9 =	vadd.f32 v9, v8;
	_ =	sdelay $0x1  }
0x147: {  	v49 =	vld [tilespmem:$0x1FF80];
	v13 =	vperm.xlane v9, v41;
	_ =	sdelay $0x1  }
0x148: {  	v8 =	vsel vm7, v8, v13  }
0x149: {  	v10 =	vmul.f32 v12, v10;
	v8 =	vadd.f32 v8, v11;
	_ =	sdelay $0x1  }
0x14a: {  	v8 =	vsub.f32 v8, v10;
	_ =	sdelay $0x1  }
0x14b: {  	[tilespmem:$0x7950] =	vst v8;
	v8 =	vld [tilespmem:$0x78E0]  }
0x14c: {  	v10 =	vld.idx.msk [tilespmem:v49+s15+$0x0], $0xffff;
	_ =	sdelay $0x1  }
0x14d: {  	v12 =	vld [tilespmem:$0x79E0];
	_ =	sdelay $0x2  }
0x14e: {  	v8 =	vsub.f32 v8, v10;
	_ =	sdelay $0x1  }
0x14f: {  	v8 =	vmul.f32 v12, v8;
	_ =	sdelay $0x1  }
0x150: {  	(xrf2) =	vadd.scan.msk.f32 $0xffff, v8;
	_ =	sdelay $0x8  }
0x151: {  	v8 =	vperm.xlane v9, v43  }
0x152: {  	v9, _, _ =	vpop (xrf2)  }
0x153: {  	v9 =	vadd.f32 v9, v8;
	_ =	sdelay $0x1  }
0x154: {  	s19 =	simm.s32 $0x0;
	v50 =	vld [tilespmem:$0x1FF90];
	v9 =	vperm.xlane v9, v41  }
0x155: {  	s19 =	smulhi.u32 $0xAAAAAAAB, s19  }
0x156: {  	v8 =	vsel vm7, v8, v9  }
0x157: {  	s20 =	sshrl.u32 s19, $0x7;
	v9 =	vmul.f32 v12, v10;
	v8 =	vadd.f32 v8, v11  }
0x158: {  	s20 =	smul.u32 $0xC00, s20  }
0x159: {  	s21 =	sshrl.u32 s19, $0x4;
	s19 =	sshll.u32 s19, $0x3;
	v8 =	vsub.f32 v8, v9  }
0x15a: {  	s19 =	sand.u32 $0x380, s19;
	s21 =	smul.u32 $0xC00, s21;
	s20 =	sadd.s32 $0x0, s20  }
0x15b: {  	s19 =	sadd.s32 s19, s20;
	[tilespmem:$0x7960] =	vst v8  }
0x15c: {  	s19 =	ssub.s32 s19, s21;
	v20 =	vld.idx.msk [tilespmem:v50+s15+$0x0], $0xffff  }
0x15d: {  	v7 =	vld [tilespmem:s19+$0x70]  }
0x15e: {  	v6 =	vld [tilespmem:s19+$0x0]  }
0x15f: {  	v39 =	vld [tilespmem:s19+$0x10]  }
0x160: {  	v3 =	vld [tilespmem:s19+$0x20]  }
0x161: {  	v37 =	vld [tilespmem:s19+$0x30]  }
0x162: {  	v35 =	vld [tilespmem:s19+$0x40]  }
0x163: {  	v21 =	vld [tilespmem:s19+$0x50]  }
0x164: {  	v51 =	vimm.s32 $0x7;
	v52 =	vld [tilespmem:s19+$0x60]  }
0x165: {  	v0 =	vperm.xlane v20, v51  }
0x166: {  	v43 =	vimm.s32 $0xFFFFFFFF  }
0x167: {  	vm8 =	vle.f32 v0, v7;
	vm9 =	vle.f32 v0, v6;
	vm10 =	vle.f32 v0, v39  }
0x168: {  	vm11 =	vle.f32 v0, v3;
	vm12 =	vle.f32 v0, v37;
	vm14 =	vle.f32 v0, v35  }
0x169: {  	vm15 =	vle.f32 v0, v21;
	vm4 =	vle.f32 v0, v52;
	v8 =	vsel vm8, $0x3F, v43  }
0x16a: {  	v10 =	vsel vm9, $0x3F, v43;
	v12 =	vsel vm10, $0x3F, v43;
	v13 =	vsel vm11, $0x3F, v43  }
0x16b: {  	v15 =	vsel vm12, $0x3F, v43;
	v22 =	vsel vm4, $0x3F, v43;
	v9 =	vadd.s32 $0x20, v8  }
0x16c: {  	v14 =	vadd.s32 $0x20, v10;
	v17 =	vadd.s32 $0x20, v12;
	v23 =	vadd.s32 $0x20, v13  }
0x16d: {  	v11 =	vshrl.u32 v9, $0x3;
	v27 =	vshrl.u32 v14, $0x3;
	v28 =	vshrl.u32 v17, $0x3  }
0x16e: {  	v29 =	vshrl.u32 v23, $0x3;
	v11 =	vperm.xlane v20, v11;
	v27 =	vperm.xlane v20, v27  }
0x16f: {  	v24 =	vadd.s32 $0x20, v15;
	v28 =	vperm.xlane v20, v28;
	v29 =	vperm.xlane v20, v29  }
0x170: {  	vm13 =	vle.f32 v11, v7;
	v11 =	vsel vm15, $0x3F, v43;
	vm6 =	vle.f32 v27, v6  }
0x171: {  	vm7 =	vle.f32 v28, v39;
	vm9 =	vle.f32 v29, v3;
	v8 =	vsel vm13, v9, v8  }
0x172: {  	v9 =	vsel vm14, $0x3F, v43;
	v26 =	vadd.s32 $0x20, v11;
	v10 =	vsel vm6, v14, v10  }
0x173: {  	v16 =	vadd.s32 $0x10, v8;
	v25 =	vadd.s32 $0x20, v9;
	v53 =	vshrl.u32 v26, $0x3  }
0x174: {  	v18 =	vshrl.u32 v16, $0x3;
	v30 =	vshrl.u32 v25, $0x3;
	v28 =	vperm.xlane v20, v53  }
0x175: {  	v12 =	vsel vm7, v17, v12;
	v18 =	vperm.xlane v20, v18;
	v27 =	vperm.xlane v20, v30  }
0x176: {  	v13 =	vsel vm9, v23, v13;
	v17 =	vadd.s32 $0x10, v12;
	vm12 =	vle.f32 v28, v21  }
0x177: {  	vm5 =	vle.f32 v18, v7;
	v18 =	vadd.s32 $0x20, v22;
	vm11 =	vle.f32 v27, v35  }
0x178: {  	v11 =	vsel vm12, v26, v11;
	v8 =	vsel vm5, v16, v8;
	v16 =	vshrl.u32 v24, $0x3  }
0x179: {  	v55 =	vshrl.u32 v18, $0x3;
	v26 =	vadd.s32 $0x10, v11;
	v31 =	vadd.s32 $0x8, v8  }
0x17a: {  	v16 =	vperm.xlane v20, v16;
	v29 =	vperm.xlane v20, v55;
	v57 =	vshrl.u32 v26, $0x3  }
0x17b: {  	v9 =	vsel vm11, v25, v9;
	v54 =	vshrl.u32 v31, $0x3;
	v59 =	vperm.xlane v20, v57  }
0x17c: {  	v36 =	vperm.xlane v20, v54;
	vm10 =	vle.f32 v16, v37;
	vm13 =	vle.f32 v29, v52  }
0x17d: {  	v16 =	vadd.s32 $0x10, v10;
	v29 =	vshrl.u32 v17, $0x3;
	v15 =	vsel vm10, v24, v15  }
0x17e: {  	v18 =	vsel vm13, v18, v22;
	v22 =	vadd.s32 $0x10, v13;
	v24 =	vadd.s32 $0x10, v9  }
0x17f: {  	v25 =	vshrl.u32 v16, $0x3;
	v29 =	vperm.xlane v20, v29;
	vm8 =	vle.f32 v36, v7  }
0x180: {  	v23 =	vadd.s32 $0x10, v15;
	v27 =	vadd.s32 $0x10, v18;
	v30 =	vshrl.u32 v22, $0x3  }
0x181: {  	v56 =	vshrl.u32 v24, $0x3;
	v25 =	vperm.xlane v20, v25;
	v8 =	vsel vm8, v31, v8  }
0x182: {  	v31 =	vshrl.u32 v23, $0x3;
	v58 =	vshrl.u32 v27, $0x3;
	v30 =	vperm.xlane v20, v30  }
0x183: {  	vm15 =	vle.f32 v29, v39;
	vm8 =	vle.f32 v59, v21;
	v14 =	vadd.s32 $0x4, v8  }
0x184: {  	v31 =	vperm.xlane v20, v31;
	vm14 =	vle.f32 v25, v6;
	v25 =	vperm.xlane v20, v56  }
0x185: {  	v12 =	vsel vm15, v17, v12;
	v11 =	vsel vm8, v26, v11;
	vm5 =	vle.f32 v30, v3  }
0x186: {  	v10 =	vsel vm14, v16, v10;
	v17 =	vadd.s32 $0x8, v12;
	vm6 =	vle.f32 v31, v37  }
0x187: {  	vm7 =	vle.f32 v25, v35;
	v13 =	vsel vm5, v22, v13;
	v16 =	vadd.s32 $0x8, v10  }
0x188: {  	v25 =	vadd.s32 $0x8, v11;
	v29 =	vshrl.u32 v17, $0x3;
	v15 =	vsel vm6, v23, v15  }
0x189: {  	v9 =	vsel vm7, v24, v9;
	v22 =	vadd.s32 $0x8, v13;
	v26 =	vshrl.u32 v16, $0x3  }
0x18a: {  	v61 =	vshrl.u32 v25, $0x3;
	v29 =	vperm.xlane v20, v29;
	v23 =	vadd.s32 $0x8, v15;
	v28 =	vld.idx.msk [tilespmem:v14+s15+$0x0], $0xffff  }
0x18b: {  	v24 =	vadd.s32 $0x8, v9;
	v30 =	vshrl.u32 v22, $0x3;
	v26 =	vperm.xlane v20, v26  }
0x18c: {  	v31 =	vshrl.u32 v23, $0x3;
	v60 =	vshrl.u32 v24, $0x3;
	v30 =	vperm.xlane v20, v30  }
0x18d: {  	vm10 =	vle.f32 v29, v39;
	v31 =	vperm.xlane v20, v31;
	vm9 =	vle.f32 v26, v6  }
0x18e: {  	v26 =	vperm.xlane v20, v60;
	v12 =	vsel vm10, v17, v12;
	v10 =	vsel vm9, v16, v10  }
0x18f: {  	vm11 =	vle.f32 v30, v3;
	v17 =	vadd.s32 $0x4, v12;
	vm4 =	vle.f32 v28, v7  }
0x190: {  	v13 =	vsel vm11, v22, v13;
	v22 =	vperm.xlane v20, v61;
	v8 =	vsel vm4, v14, v8  }
0x191: {  	vm12 =	vle.f32 v31, v37;
	v28 =	vperm.xlane v20, v58;
	v14 =	vadd.s32 $0x2, v8  }
0x192: {  	v16 =	vadd.s32 $0x4, v10;
	v15 =	vsel vm12, v23, v15;
	vm15 =	vle.f32 v22, v21  }
0x193: {  	v23 =	vadd.s32 $0x4, v13;
	v11 =	vsel vm15, v25, v11;
	vm13 =	vle.f32 v28, v52  }
0x194: {  	v29 =	vadd.s32 $0x4, v11;
	v18 =	vsel vm13, v27, v18  }
0x195: {  	vm14 =	vle.f32 v26, v35;
	v30 =	vld.idx.msk [tilespmem:v17+s15+$0x0], $0xffff;
	v22 =	vadd.s32 $0x8, v18  }
0x196: {  	v9 =	vsel vm14, v24, v9;
	v26 =	vadd.s32 $0x4, v15;
	v27 =	vshrl.u32 v22, $0x3;
	v28 =	vld.idx.msk [tilespmem:v14+s15+$0x0], $0xffff  }
0x197: {  	s28 =	simm.s32 $0x8;
	v24 =	vadd.s32 $0x4, v9;
	v25 =	vld.idx.msk [tilespmem:v16+s15+$0x0], $0xffff;
	v27 =	vperm.xlane v20, v27  }
0x198: {  	s20 =	smulhi.u32 $0xAAAAAAAB, s28;
	v31 =	vld.idx.msk [tilespmem:v23+s15+$0x0], $0xffff;
	[tilespmem:$0x1FC00] =	vst v7  }
0x199: {  	vm5 =	vle.f32 v27, v52;
	v27 =	vld.idx.msk [tilespmem:v29+s15+$0x0], $0xffff  }
0x19a: {  	s29 =	sshrl.u32 s20, $0x7  }
0x19b: {  	s21 =	smul.u32 $0xC00, s29;
	v18 =	vsel vm5, v22, v18;
	vm4 =	vle.f32 v28, v7;
	v28 =	vld.idx.msk [tilespmem:v26+s15+$0x0], $0xffff  }
0x19c: {  	s22 =	sshrl.u32 s20, $0x4;
	s20 =	sshll.u32 s20, $0x3;
	vm6 =	vle.f32 v25, v6;
	v22 =	vld.idx.msk [tilespmem:v24+s15+$0x0], $0xffff;
	v25 =	vadd.s32 $0x4, v18;
	v8 =	vsel vm4, v14, v8  }
0x19d: {  	s20 =	sand.u32 $0x380, s20;
	s22 =	smul.u32 $0xC00, s22;
	s21 =	sadd.s32 $0x400, s21;
	vm7 =	vle.f32 v30, v39;
	v16 =	vsel vm6, v16, v10;
	v14 =	vadd.s32 $0x1, v8  }
0x19e: {  	s20 =	sadd.s32 s20, s21;
	v17 =	vsel vm7, v17, v12;
	v62 =	vadd.s32 $0x2, v16;
	vm11 =	vle.f32 v27, v21  }
0x19f: {  	s20 =	ssub.s32 s20, s22;
	vm8 =	vle.f32 v31, v3;
	v63 =	vadd.s32 $0x2, v17;
	v33 =	vsel vm11, v29, v11  }
0x1a0: {  	v5 =	vld [tilespmem:s20+$0x70];
	v23 =	vsel vm8, v23, v13;
	v30 =	vadd.s32 $0x2, v33;
	vm9 =	vle.f32 v28, v37  }
0x1a1: {  	vm10 =	vle.f32 v22, v35;
	v13 =	vld.idx.msk [tilespmem:v25+s15+$0x0], $0xffff;
	v28 =	vadd.s32 $0x2, v23;
	v15 =	vsel vm9, v26, v15  }
0x1a2: {  	v9 =	vsel vm10, v24, v9;
	v10 =	vld.idx.msk [tilespmem:v14+s15+$0x0], $0xffff;
	v22 =	vadd.s32 $0x2, v15  }
0x1a3: {  	v11 =	vld.idx.msk [tilespmem:v62+s15+$0x0], $0xffff;
	v24 =	vadd.s32 $0x2, v9  }
0x1a4: {  	v26 =	vld.idx.msk [tilespmem:v63+s15+$0x0], $0xffff  }
0x1a5: {  	v47 =	vld.idx.msk [tilespmem:v30+s15+$0x0], $0xffff  }
0x1a6: {  	v27 =	vld.idx.msk [tilespmem:v28+s15+$0x0], $0xffff  }
0x1a7: {  	v29 =	vld.idx.msk [tilespmem:v22+s15+$0x0], $0xffff;
	vm12 =	vle.f32 v10, v7  }
0x1a8: {  	v8 =	vsel vm12, v14, v8;
	v14 =	vld.idx.msk [tilespmem:v24+s15+$0x0], $0xffff;
	[tilespmem:$0x1FC60] =	vst v6  }
0x1a9: {  	vm6 =	vle.f32 v0, v5;
	vm13 =	vle.f32 v13, v52;
	[tilespmem:$0x1FC80] =	vst v39  }
0x1aa: {  	vm14 =	vle.f32 v11, v6;
	v12 =	vsel vm13, v25, v18;
	vm15 =	vle.f32 v26, v39;
	[tilespmem:$0x1FCB0] =	vst v3  }
0x1ab: {  	v31 =	vsel vm14, v62, v16;
	v13 =	vadd.s32 $0x2, v12;
	v18 =	vsel vm15, v63, v17;
	v7 =	vld [tilespmem:s20+$0x10]  }
0x1ac: {  	v42 =	vmovc v3;
	v32 =	vadd.s32 $0x1, v31;
	v11 =	vadd.s32 $0x1, v18;
	vm4 =	vle.f32 v27, v3;
	v3 =	vld [tilespmem:s20+$0x0];
	[tilespmem:$0x1FCC0] =	vst v37  }
0x1ad: {  	vm1 =	vle.f32 v47, v21;
	v40 =	vadd.s32 $0x1, v8;
	v26 =	vsel vm4, v28, v23;
	v4 =	vld [tilespmem:s20+$0x20]  }
0x1ae: {  	[tilespmem:$0x1FCD0] =	vst v35;
	vm5 =	vle.f32 v29, v37;
	v36 =	vadd.s32 $0x1, v26;
	vm7 =	vle.f32 v14, v35  }
0x1af: {  	v1 =	vld [tilespmem:s20+$0x30];
	[tilespmem:$0x1FCE0] =	vst v21;
	v34 =	vsel vm5, v22, v15;
	v14 =	vsel vm6, $0x3F, v43;
	v27 =	vsel vm7, v24, v9  }
0x1b0: {  	v25 =	vld [tilespmem:s20+$0x40];
	v9 =	vadd.s32 $0x20, v14;
	v28 =	vadd.s32 $0x1, v34;
	vm9 =	vle.f32 v0, v7  }
0x1b1: {  	v15 =	vshrl.u32 v9, $0x3;
	v29 =	vadd.s32 $0x1, v27;
	vm8 =	vle.f32 v0, v3  }
0x1b2: {  	v24 =	vld [tilespmem:s20+$0x60];
	v17 =	vsel vm9, $0x3F, v43;
	v15 =	vperm.xlane v20, v15;
	vm10 =	vle.f32 v0, v4  }
0x1b3: {  	v19 =	vmovc v52;
	v22 =	vmovc v3;
	v3 =	vld [tilespmem:s20+$0x50];
	v16 =	vsel vm8, $0x3F, v43;
	v52 =	vadd.s32 $0x20, v17;
	v47 =	vsel vm10, $0x3F, v43  }
0x1b4: {  	vm12 =	vle.f32 v0, v1;
	v46 =	vshrl.u32 v52, $0x3;
	vm11 =	vle.f32 v15, v5  }
0x1b5: {  	v15 =	vadd.s32 $0x20, v16;
	vm13 =	vle.f32 v0, v25;
	v54 =	vadd.s32 $0x20, v47  }
0x1b6: {  	v9 =	vsel vm11, v9, v14;
	v14 =	vsel vm12, $0x3F, v43;
	v49 =	vsel vm13, $0x3F, v43  }
0x1b7: {  	vm15 =	vle.f32 v0, v24;
	v57 =	vshrl.u32 v15, $0x3;
	v60 =	vshrl.u32 v54, $0x3  }
0x1b8: {  	v48 =	vadd.s32 $0x10, v9;
	vm14 =	vle.f32 v0, v3;
	v53 =	vsel vm15, $0x3F, v43  }
0x1b9: {  	v55 =	vadd.s32 $0x20, v14;
	v56 =	vadd.s32 $0x20, v49;
	v57 =	vperm.xlane v20, v57  }
0x1ba: {  	v60 =	vperm.xlane v20, v60;
	v50 =	vshrl.u32 v48, $0x3;
	v51 =	vsel vm14, $0x3F, v43  }
0x1bb: {  	v58 =	vadd.s32 $0x20, v53;
	v61 =	vshrl.u32 v55, $0x3;
	v63 =	vshrl.u32 v56, $0x3  }
0x1bc: {  	v50 =	vperm.xlane v20, v50;
	v10 =	vshrl.u32 v58, $0x3;
	vm5 =	vle.f32 v57, v22  }
0x1bd: {  	v41 =	vperm.xlane v20, v63;
	vm8 =	vle.f32 v60, v4;
	v15 =	vsel vm5, v15, v16  }
0x1be: {  	v10 =	vperm.xlane v20, v10;
	v47 =	vsel vm8, v54, v47;
	vm4 =	vle.f32 v50, v5  }
0x1bf: {  	v50 =	vadd.s32 $0x20, v51;
	vm10 =	vle.f32 v41, v25;
	v9 =	vsel vm4, v48, v9  }
0x1c0: {  	v8 =	vshrl.u32 v50, $0x3;
	v48 =	vperm.xlane v20, v46;
	v59 =	vadd.s32 $0x8, v9  }
0x1c1: {  	vm12 =	vle.f32 v10, v24;
	v8 =	vperm.xlane v20, v8;
	v62 =	vshrl.u32 v59, $0x3  }
0x1c2: {  	vm7 =	vle.f32 v48, v7;
	v48 =	vadd.s32 $0x10, v15;
	v62 =	vperm.xlane v20, v62  }
0x1c3: {  	v17 =	vsel vm7, v52, v17;
	vm11 =	vle.f32 v8, v3;
	v8 =	vsel vm10, v56, v49  }
0x1c4: {  	v46 =	vshrl.u32 v48, $0x3;
	v10 =	vsel vm11, v50, v51;
	vm6 =	vle.f32 v62, v5  }
0x1c5: {  	v49 =	vadd.s32 $0x10, v17;
	v50 =	vsel vm12, v58, v53;
	v9 =	vsel vm6, v59, v9  }
0x1c6: {  	v51 =	vadd.s32 $0x10, v47;
	v53 =	vadd.s32 $0x10, v8;
	v16 =	vadd.s32 $0x4, v9  }
0x1c7: {  	v62 =	vperm.xlane v20, v61;
	v56 =	vadd.s32 $0x10, v10;
	v57 =	vadd.s32 $0x10, v50  }
0x1c8: {  	v58 =	vshrl.u32 v49, $0x3;
	v44 =	vshrl.u32 v53, $0x3;
	v59 =	vshrl.u32 v51, $0x3  }
0x1c9: {  	v45 =	vshrl.u32 v56, $0x3;
	v58 =	vperm.xlane v20, v58;
	v61 =	vperm.xlane v20, v44  }
0x1ca: {  	vm9 =	vle.f32 v62, v1;
	v59 =	vperm.xlane v20, v59;
	v62 =	vperm.xlane v20, v45  }
0x1cb: {  	v14 =	vsel vm9, v55, v14;
	v55 =	vperm.xlane v20, v46;
	v46 =	vshrl.u32 v57, $0x3;
	v54 =	vld.idx.msk [tilespmem:v16+s15+$0x0], $0xffff  }
0x1cc: {  	vm15 =	vle.f32 v58, v7;
	vm6 =	vle.f32 v61, v25;
	v52 =	vadd.s32 $0x10, v14  }
0x1cd: {  	vm4 =	vle.f32 v59, v4;
	v17 =	vsel vm15, v49, v17;
	vm7 =	vle.f32 v62, v3  }
0x1ce: {  	v8 =	vsel vm6, v53, v8;
	v41 =	vshrl.u32 v52, $0x3;
	vm13 =	vle.f32 v55, v22  }
0x1cf: {  	v47 =	vsel vm4, v51, v47;
	v10 =	vsel vm7, v56, v10;
	v60 =	vperm.xlane v20, v41  }
0x1d0: {  	v53 =	vadd.s32 $0x8, v8;
	v15 =	vsel vm13, v48, v15;
	vm14 =	vle.f32 v54, v5  }
0x1d1: {  	vm5 =	vle.f32 v60, v1;
	v9 =	vsel vm14, v16, v9;
	v16 =	vperm.xlane v20, v46  }
0x1d2: {  	v51 =	vadd.s32 $0x8, v47;
	v55 =	vadd.s32 $0x8, v10;
	v14 =	vsel vm5, v52, v14  }
0x1d3: {  	v52 =	vadd.s32 $0x8, v14;
	vm8 =	vle.f32 v16, v24;
	v16 =	vadd.s32 $0x8, v15  }
0x1d4: {  	v48 =	vsel vm8, v57, v50;
	v50 =	vadd.s32 $0x8, v17;
	v41 =	vshrl.u32 v16, $0x3  }
0x1d5: {  	v59 =	vshrl.u32 v52, $0x3;
	v44 =	vshrl.u32 v50, $0x3;
	v54 =	vperm.xlane v20, v41  }
0x1d6: {  	v45 =	vshrl.u32 v51, $0x3;
	v59 =	vperm.xlane v20, v59;
	v56 =	vperm.xlane v20, v44  }
0x1d7: {  	v46 =	vshrl.u32 v53, $0x3;
	v49 =	vadd.s32 $0x2, v9;
	vm9 =	vle.f32 v54, v22  }
0x1d8: {  	v60 =	vperm.xlane v20, v46;
	vm10 =	vle.f32 v56, v7;
	v15 =	vsel vm9, v16, v15  }
0x1d9: {  	vm12 =	vle.f32 v59, v1;
	v16 =	vld.idx.msk [tilespmem:v13+s15+$0x0], $0xffff;
	v17 =	vsel vm10, v50, v17;
	v50 =	vadd.s32 $0x4, v15  }
0x1da: {  	v63 =	vld.idx.msk [tilespmem:v11+s15+$0x0], $0xffff;
	v14 =	vsel vm12, v52, v14;
	v44 =	vperm.xlane v20, v45;
	v62 =	vadd.s32 $0x4, v17  }
0x1db: {  	v58 =	vld.idx.msk [tilespmem:v32+s15+$0x0], $0xffff;
	vm13 =	vle.f32 v60, v25;
	v57 =	vadd.s32 $0x8, v48;
	v41 =	vshrl.u32 v55, $0x3  }
0x1dc: {  	v38 =	vmovc v6;
	v45 =	vshrl.u32 v57, $0x3;
	v54 =	vperm.xlane v20, v41;
	v46 =	vld.idx.msk [tilespmem:v49+s15+$0x0], $0xffff;
	vm11 =	vle.f32 v44, v4  }
0x1dd: {  	v8 =	vsel vm13, v53, v8;
	v61 =	vperm.xlane v20, v45;
	v56 =	vld.idx.msk [tilespmem:v36+s15+$0x0], $0xffff;
	v51 =	vsel vm11, v51, v47  }
0x1de: {  	v2 =	vmovc v5;
	vm14 =	vle.f32 v54, v3;
	v52 =	vadd.s32 $0x4, v51;
	vm4 =	vle.f32 v16, v19;
	v47 =	vld.idx.msk [tilespmem:v50+s15+$0x0], $0xffff  }
0x1df: {  	v53 =	vadd.s32 $0x4, v14;
	vm15 =	vle.f32 v61, v24;
	v6 =	vsel vm4, v13, v12;
	v41 =	vld.idx.msk [tilespmem:v62+s15+$0x0], $0xffff;
	[tilespmem:$0x1FCF0] =	vst v19  }
0x1e0: {  	s30 =	simm.s32 $0x10;
	v5 =	vmovc v7;
	v10 =	vsel vm14, v55, v10;
	v55 =	vadd.s32 $0x4, v8;
	v7 =	vadd.s32 $0x1, v6;
	v16 =	vld.idx.msk [tilespmem:v28+s15+$0x0], $0xffff;
	[tilespmem:$0x1FB80] =	vst v6  }
0x1e1: {  	s21 =	smulhi.u32 $0xAAAAAAAB, s30;
	v57 =	vsel vm15, v57, v48;
	v61 =	vadd.s32 $0x4, v10;
	v12 =	vld.idx.msk [tilespmem:v29+s15+$0x0], $0xffff;
	[tilespmem:$0x1FB90] =	vst v7  }
0x1e2: {  	v30 =	vsel vm1, v30, v33;
	vm6 =	vle.f32 v58, v38;
	v13 =	vadd.s32 $0x4, v57;
	[tilespmem:$0x1FC50] =	vst v2  }
0x1e3: {  	s31 =	sshrl.u32 s21, $0x7;
	v33 =	vadd.s32 $0x1, v30;
	v31 =	vsel vm6, v32, v31;
	vm9 =	vle.f32 v63, v39;
	v44 =	vld.idx.msk [tilespmem:v52+s15+$0x0], $0xffff  }
0x1e4: {  	s22 =	smul.u32 $0xC00, s31;
	v11 =	vsel vm9, v11, v18;
	vm5 =	vle.f32 v46, v2;
	v45 =	vld.idx.msk [tilespmem:v53+s15+$0x0], $0xffff;
	vm7 =	vle.f32 v47, v22  }
0x1e5: {  	s23 =	sshrl.u32 s21, $0x4;
	s21 =	sshll.u32 s21, $0x3;
	v46 =	vld.idx.msk [tilespmem:v55+s15+$0x0], $0xffff;
	[tilespmem:$0x1FBA0] =	vst v5;
	v15 =	vsel vm7, v50, v15;
	vm8 =	vle.f32 v41, v5  }
0x1e6: {  	s21 =	sand.u32 $0x380, s21;
	s23 =	smul.u32 $0xC00, s23;
	s22 =	sadd.s32 $0x800, s22;
	vm10 =	vle.f32 v56, v42;
	v47 =	vld.idx.msk [tilespmem:v61+s15+$0x0], $0xffff;
	v48 =	vadd.s32 $0x2, v15;
	v17 =	vsel vm8, v62, v17  }
0x1e7: {  	s21 =	sadd.s32 s21, s22;
	v9 =	vsel vm5, v49, v9;
	v18 =	vsel vm10, v36, v26;
	v39 =	vld.idx.msk [tilespmem:v13+s15+$0x0], $0xffff;
	v41 =	vadd.s32 $0x2, v17  }
0x1e8: {  	s21 =	ssub.s32 s21, s23;
	v58 =	vadd.s32 $0x1, v9;
	v42 =	vld.idx.msk [tilespmem:v33+s15+$0x0], $0xffff;
	[tilespmem:$0x1FBC0] =	vst v4;
	vm11 =	vle.f32 v16, v37;
	vm12 =	vle.f32 v44, v4  }
0x1e9: {  	v36 =	vld [tilespmem:s21+$0x70];
	vm5 =	vle.f32 v12, v35;
	vm13 =	vle.f32 v45, v1;
	v26 =	vsel vm12, v52, v51  }
0x1ea: {  	v16 =	vld.idx.msk [tilespmem:v7+s15+$0x0], $0xffff;
	vm14 =	vle.f32 v46, v25;
	v14 =	vsel vm13, v53, v14;
	v63 =	vadd.s32 $0x2, v26  }
0x1eb: {  	v23 =	vmovc v4;
	v55 =	vsel vm14, v55, v8;
	vm15 =	vle.f32 v47, v3;
	v52 =	vadd.s32 $0x2, v14;
	v8 =	vld.idx.msk [tilespmem:v48+s15+$0x0], $0xffff  }
0x1ec: {  	v6 =	vmovc v5;
	v5 =	vsel vm11, v28, v34;
	v45 =	vadd.s32 $0x2, v55;
	v10 =	vsel vm15, v61, v10;
	v46 =	vld.idx.msk [tilespmem:v41+s15+$0x0], $0xffff  }
0x1ed: {  	v44 =	vld.idx.msk [tilespmem:v58+s15+$0x0], $0xffff;
	v4 =	vsel vm5, v29, v27;
	vm6 =	vle.f32 v42, v21;
	v61 =	vadd.s32 $0x2, v10;
	[tilespmem:$0x1FBD0] =	vst v5  }
0x1ee: {  	v54 =	vsel vm6, v33, v30;
	[tilespmem:$0x1FBE0] =	vst v4  }
0x1ef: {  	v12 =	vld.idx.msk [tilespmem:v63+s15+$0x0], $0xffff;
	[tilespmem:$0x1FBF0] =	vst v54  }
0x1f0: {  	vm10 =	vle.f32 v0, v36;
	v28 =	vld.idx.msk [tilespmem:v52+s15+$0x0], $0xffff  }
0x1f1: {  	v29 =	vld.idx.msk [tilespmem:v45+s15+$0x0], $0xffff;
	vm8 =	vle.f32 v8, v22;
	[tilespmem:$0x1FD00] =	vst v22;
	vm9 =	vle.f32 v46, v6  }
0x1f2: {  	v30 =	vld.idx.msk [tilespmem:v61+s15+$0x0], $0xffff;
	v59 =	vsel vm8, v48, v15;
	v51 =	vsel vm9, v41, v17;
	v17 =	vsel vm10, $0x3F, v43  }
0x1f3: {  	[tilespmem:$0x1FBB0] =	vst v59;
	v60 =	vadd.s32 $0x20, v17  }
0x1f4: {  	vm4 =	vle.f32 v39, v24;
	v6 =	vld [tilespmem:s21+$0x0];
	vm11 =	vle.f32 v12, v23;
	v12 =	vshrl.u32 v60, $0x3  }
0x1f5: {  	v57 =	vsel vm4, v13, v57;
	v7 =	vld [tilespmem:s21+$0x10];
	v34 =	vperm.xlane v20, v12  }
0x1f6: {  	v47 =	vadd.s32 $0x2, v57;
	vm1 =	vle.f32 v16, v19;
	v19 =	vld [tilespmem:s21+$0x20]  }
0x1f7: {  	vm7 =	vle.f32 v44, v2;
	v44 =	vld [tilespmem:s21+$0x60];
	vm14 =	vle.f32 v30, v3;
	vm4 =	vle.f32 v34, v36  }
0x1f8: {  	vm13 =	vle.f32 v29, v25;
	v29 =	vld [tilespmem:s21+$0x30];
	v4 =	vsel vm14, v61, v10;
	v10 =	vsel vm4, v60, v17  }
0x1f9: {  	v27 =	vmovc v1;
	v1 =	vadd.s32 $0x1, v11;
	v2 =	vsel vm11, v63, v26;
	v26 =	vld [tilespmem:s21+$0x40];
	v33 =	vadd.s32 $0x10, v10  }
0x1fa: {  	v5 =	vadd.s32 $0x1, v31;
	v9 =	vsel vm7, v58, v9;
	v30 =	vld [tilespmem:s21+$0x50];
	v38 =	vshrl.u32 v33, $0x3  }
0x1fb: {  	v35 =	vadd.s32 $0x1, v9;
	v31 =	vld.idx.msk [tilespmem:v47+s15+$0x0], $0xffff;
	vm12 =	vle.f32 v28, v27;
	v53 =	vperm.xlane v20, v38  }
0x1fc: {  	v23 =	vsel vm12, v52, v14;
	v21 =	vsel vm13, v45, v55;
	vm5 =	vle.f32 v0, v6  }
0x1fd: {  	vm6 =	vle.f32 v0, v7;
	vm7 =	vle.f32 v0, v19;
	vm11 =	vle.f32 v53, v36  }
0x1fe: {  	vm12 =	vle.f32 v0, v44;
	vm8 =	vle.f32 v0, v29;
	v10 =	vsel vm11, v33, v10  }
0x1ff: {  	[tilespmem:$0x1FB70] =	vst v0;
	vm9 =	vle.f32 v0, v26;
	vm10 =	vle.f32 v0, v30;
	v0 =	vadd.s32 $0x8, v10  }
0x200: {  	vm15 =	vle.f32 v31, v24;
	v17 =	vsel vm5, $0x3F, v43;
	v8 =	vshrl.u32 v0, $0x3  }
0x201: {  	v31 =	vsel vm15, v47, v57;
	v45 =	vadd.s32 $0x20, v17;
	v8 =	vperm.xlane v20, v8  }
0x202: {  	v52 =	vsel vm6, $0x3F, v43;
	v39 =	vsel vm7, $0x3F, v43;
	v9 =	vshrl.u32 v45, $0x3  }
0x203: {  	v49 =	vadd.s32 $0x20, v52;
	v9 =	vperm.xlane v20, v9;
	vm13 =	vle.f32 v8, v36  }
0x204: {  	v47 =	vsel vm9, $0x3F, v43;
	v11 =	vshrl.u32 v49, $0x3;
	v62 =	vsel vm13, v0, v10  }
0x205: {  	v11 =	vperm.xlane v20, v11;
	vm14 =	vle.f32 v9, v6;
	v9 =	vadd.s32 $0x4, v62  }
0x206: {  	v50 =	vsel vm12, $0x3F, v43;
	v32 =	vadd.s32 $0x20, v39;
	v13 =	vadd.s32 $0x20, v47  }
0x207: {  	v14 =	vadd.s32 $0x20, v50;
	vm15 =	vle.f32 v11, v7;
	v11 =	vshrl.u32 v13, $0x3  }
0x208: {  	v46 =	vsel vm8, $0x3F, v43;
	v48 =	vsel vm10, $0x3F, v43;
	v11 =	vperm.xlane v20, v11  }
0x209: {  	v12 =	vadd.s32 $0x20, v46;
	v15 =	vadd.s32 $0x20, v48;
	v8 =	vshrl.u32 v32, $0x3  }
0x20a: {  	vm6 =	vle.f32 v11, v26;
	v10 =	vshrl.u32 v12, $0x3;
	v8 =	vperm.xlane v20, v8;
	v11 =	vld.idx.msk [tilespmem:v9+s15+$0x0], $0xffff  }
0x20b: {  	v34 =	vshrl.u32 v15, $0x3;
	v17 =	vsel vm14, v45, v17;
	v10 =	vperm.xlane v20, v10  }
0x20c: {  	v52 =	vsel vm15, v49, v52;
	v58 =	vperm.xlane v20, v34;
	vm4 =	vle.f32 v8, v19  }
0x20d: {  	v38 =	vadd.s32 $0x10, v52;
	vm5 =	vle.f32 v10, v29;
	v10 =	vsel vm4, v32, v39  }
0x20e: {  	v13 =	vsel vm6, v13, v47;
	v8 =	vshrl.u32 v14, $0x3;
	v57 =	vadd.s32 $0x10, v10  }
0x20f: {  	v8 =	vperm.xlane v20, v8;
	vm9 =	vle.f32 v11, v36;
	v11 =	vshrl.u32 v57, $0x3  }
0x210: {  	vm7 =	vle.f32 v58, v30;
	v45 =	vadd.s32 $0x10, v13;
	v11 =	vperm.xlane v20, v11  }
0x211: {  	vm8 =	vle.f32 v8, v44;
	v8 =	vsel vm7, v15, v48;
	v15 =	vadd.s32 $0x10, v17  }
0x212: {  	v12 =	vsel vm5, v12, v46;
	v46 =	vshrl.u32 v15, $0x3;
	vm12 =	vle.f32 v11, v19  }
0x213: {  	v60 =	vperm.xlane v20, v46;
	v9 =	vsel vm9, v9, v62;
	v10 =	vsel vm12, v57, v10;
	v57 =	vld.idx.msk [tilespmem:v40+s13+$0x0], $0xffff  }
0x214: {  	v48 =	vshrl.u32 v38, $0x3;
	v14 =	vsel vm8, v14, v50;
	v50 =	vadd.s32 $0x2, v9;
	v40 =	vld.idx.msk [tilespmem:v40+s16+$0x0], $0xffff  }
0x215: {  	v39 =	vadd.s32 $0x10, v12;
	v63 =	vperm.xlane v20, v48;
	vm10 =	vle.f32 v60, v6  }
0x216: {  	v32 =	vshrl.u32 v39, $0x3;
	v15 =	vsel vm10, v15, v17;
	v17 =	vshrl.u32 v45, $0x3  }
0x217: {  	vm11 =	vle.f32 v63, v7;
	v63 =	vperm.xlane v20, v32;
	v17 =	vperm.xlane v20, v17  }
0x218: {  	v47 =	vadd.s32 $0x10, v8;
	v49 =	vadd.s32 $0x10, v14  }
0x219: {  	v33 =	vshrl.u32 v49, $0x3;
	vm13 =	vle.f32 v63, v29;
	vm14 =	vle.f32 v17, v26;
	v17 =	vld.idx.msk [tilespmem:v50+s15+$0x0], $0xffff;
	[tilespmem:$0x1FC40] =	vst v40  }
0x21a: {  	v52 =	vsel vm11, v38, v52;
	v53 =	vperm.xlane v20, v33;
	v16 =	vsel vm13, v39, v12;
	v0 =	vld.idx.msk [tilespmem:v5+s13+$0x0], $0xffff  }
0x21b: {  	v39 =	vadd.s32 $0x8, v52;
	v11 =	vshrl.u32 v47, $0x3;
	v33 =	vsel vm14, v45, v13  }
0x21c: {  	v13 =	vadd.s32 $0x8, v15;
	v45 =	vshrl.u32 v39, $0x3;
	v11 =	vperm.xlane v20, v11  }
0x21d: {  	vm4 =	vle.f32 v53, v44;
	v34 =	vshrl.u32 v13, $0x3;
	v62 =	vperm.xlane v20, v45  }
0x21e: {  	v38 =	vadd.s32 $0x8, v10;
	v53 =	vperm.xlane v20, v34;
	vm15 =	vle.f32 v11, v30  }
0x21f: {  	v34 =	vsel vm4, v49, v14;
	v46 =	vsel vm15, v47, v8;
	v47 =	vshrl.u32 v38, $0x3;
	[tilespmem:$0x1FC70] =	vst v0  }
0x220: {  	vm7 =	vle.f32 v62, v7;
	vm5 =	vle.f32 v53, v6;
	v63 =	vperm.xlane v20, v47;
	v0 =	vld.idx.msk [tilespmem:v1+s13+$0x0], $0xffff  }
0x221: {  	v62 =	vadd.s32 $0x8, v16;
	v49 =	vsel vm5, v13, v15;
	v15 =	vadd.s32 $0x8, v33  }
0x222: {  	v48 =	vshrl.u32 v62, $0x3;
	v8 =	vshrl.u32 v15, $0x3;
	vm8 =	vle.f32 v63, v19  }
0x223: {  	v63 =	vperm.xlane v20, v48;
	v8 =	vperm.xlane v20, v8;
	vm6 =	vle.f32 v17, v36  }
0x224: {  	v48 =	vsel vm8, v38, v10;
	v50 =	vsel vm6, v50, v9;
	v9 =	vadd.s32 $0x8, v46  }
0x225: {  	v10 =	vadd.s32 $0x8, v34;
	vm10 =	vle.f32 v8, v26;
	v8 =	vshrl.u32 v9, $0x3;
	[tilespmem:$0x1FC90] =	vst v0  }
0x226: {  	v11 =	vperm.xlane v20, v8;
	v8 =	vshrl.u32 v10, $0x3;
	v0 =	vld.idx.msk [tilespmem:v35+s16+$0x0], $0xffff  }
0x227: {  	v37 =	vadd.s32 $0x1, v18;
	vm9 =	vle.f32 v63, v29;
	v8 =	vperm.xlane v20, v8  }
0x228: {  	v42 =	vadd.s32 $0x1, v59;
	v38 =	vsel vm9, v62, v16;
	v16 =	vld [tilespmem:$0x1FBF0]  }
0x229: {  	v41 =	vadd.s32 $0x1, v51;
	vm12 =	vle.f32 v8, v44;
	v8 =	vld [tilespmem:$0x1FB80]  }
0x22a: {  	v18 =	vadd.s32 $0x1, v2;
	vm11 =	vle.f32 v11, v30;
	v60 =	vld.idx.msk [tilespmem:v35+s13+$0x0], $0xffff  }
0x22b: {  	v53 =	vadd.s32 $0x1, v23;
	[tilespmem:$0x1FCA0] =	vst v0;
	v0 =	vsel vm10, v15, v33;
	v33 =	vsel vm11, v9, v46;
	v9 =	vld [tilespmem:$0x1FB90]  }
0x22c: {  	v58 =	vadd.s32 $0x1, v4;
	v61 =	vld.idx.msk [tilespmem:v37+s13+$0x0], $0xffff  }
0x22d: {  	v40 =	vld.idx.msk [tilespmem:v42+s15+$0x0], $0xffff  }
0x22e: {  	v63 =	vld.idx.msk [tilespmem:v41+s15+$0x0], $0xffff  }
0x22f: {  	v59 =	vadd.s32 $0x1, v31;
	v52 =	vsel vm7, v39, v52;
	v39 =	vld.idx.msk [tilespmem:v18+s15+$0x0], $0xffff  }
0x230: {  	v13 =	vadd.s32 $0x4, v49;
	v54 =	vld.idx.msk [tilespmem:v53+s15+$0x0], $0xffff  }
0x231: {  	v55 =	vmov v37;
	v37 =	vadd.s32 $0x1, v50;
	v62 =	vld.idx.msk [tilespmem:v58+s15+$0x0], $0xffff  }
0x232: {  	v8 =	vsel vm1, v9, v8;
	v9 =	vld [tilespmem:$0x1FBB0]  }
0x233: {  	vm13 =	vle.f32 v40, v22;
	v22 =	vld [tilespmem:$0x1FBA0]  }
0x234: {  	v56 =	vmov v5;
	v35 =	vadd.s32 $0x4, v52;
	v5 =	vld.idx.msk [tilespmem:v59+s15+$0x0], $0xffff  }
0x235: {  	v12 =	vadd.s32 $0x4, v48;
	v15 =	vld.idx.msk [tilespmem:v13+s15+$0x0], $0xffff  }
0x236: {  	v32 =	vmov v1;
	v45 =	vadd.s32 $0x1, v21;
	v14 =	vmov v42;
	v1 =	vld.idx.msk [tilespmem:v37+s15+$0x0], $0xffff  }
0x237: {  	v46 =	vsel vm13, v14, v9;
	v9 =	vld [tilespmem:$0x1FBD0]  }
0x238: {  	vm14 =	vle.f32 v63, v22;
	v63 =	vld [tilespmem:$0x1FBC0]  }
0x239: {  	v28 =	vmov v2;
	v2 =	vmov v31;
	v31 =	vmov v3;
	v3 =	vld.idx.msk [tilespmem:v35+s15+$0x0], $0xffff  }
0x23a: {  	v14 =	vld.idx.msk [tilespmem:v12+s15+$0x0], $0xffff  }
0x23b: {  	v11 =	vadd.s32 $0x4, v38;
	v34 =	vsel vm12, v10, v34;
	v17 =	vld.idx.msk [tilespmem:v45+s15+$0x0], $0xffff;
	vm7 =	vle.f32 v5, v24  }
0x23c: {  	v47 =	vadd.s32 $0x4, v0;
	vm6 =	vle.f32 v62, v31;
	v62 =	vsel vm7, v59, v2;
	v59 =	vld [tilespmem:$0x1FC50]  }
0x23d: {  	vm8 =	vle.f32 v1, v36;
	vm15 =	vle.f32 v39, v63;
	v39 =	vadd.s32 $0x1, v9;
	v9 =	vld [tilespmem:$0x1FBE0]  }
0x23e: {  	v10 =	vadd.s32 $0x4, v33;
	vm10 =	vle.f32 v3, v7;
	v37 =	vsel vm8, v37, v50;
	v50 =	vld [tilespmem:$0x1FC80]  }
0x23f: {  	vm9 =	vle.f32 v15, v6;
	vm11 =	vle.f32 v14, v19;
	v14 =	vsel vm10, v35, v52;
	v52 =	vld [tilespmem:$0x1FC90]  }
0x240: {  	v40 =	vadd.s32 $0x4, v34;
	v15 =	vsel vm9, v13, v49;
	v13 =	vsel vm11, v12, v48;
	v48 =	vld [tilespmem:$0x1FC70]  }
0x241: {  	vm4 =	vle.f32 v54, v27;
	v54 =	vsel vm15, v18, v28;
	v18 =	vld.idx.msk [tilespmem:v47+s15+$0x0], $0xffff  }
0x242: {  	vm5 =	vle.f32 v17, v25;
	v17 =	vadd.s32 $0x1, v8;
	v42 =	vadd.s32 $0x1, v9;
	v9 =	vld.idx.msk [tilespmem:v11+s15+$0x0], $0xffff;
	[tilespmem:$0x1FC10] =	vst v25  }
0x243: {  	v8 =	vld.idx.msk [tilespmem:v10+s15+$0x0], $0xffff;
	[tilespmem:$0x1FC20] =	vst v31  }
0x244: {  	v28 =	vld [tilespmem:$0x1FC00];
	[tilespmem:$0x1FC30] =	vst v24  }
0x245: {  	v51 =	vsel vm14, v41, v51;
	v41 =	vld.idx.msk [tilespmem:v40+s15+$0x0], $0xffff  }
0x246: {  	v1 =	vld.idx.msk [tilespmem:v39+s13+$0x0], $0xffff  }
0x247: {  	v35 =	vld.idx.msk [tilespmem:v17+s13+$0x0], $0xffff  }
0x248: {  	vm13 =	vle.f32 v18, v26;
	v18 =	vld.idx.msk [tilespmem:v56+s16+$0x0], $0xffff  }
0x249: {  	v16 =	vadd.s32 $0x1, v16;
	v56 =	vld [tilespmem:$0x1FC40]  }
0x24a: {  	v12 =	vsel vm13, v47, v0;
	v47 =	vld [tilespmem:$0x1FC60]  }
0x24b: {  	v39 =	vld.idx.msk [tilespmem:v39+s16+$0x0], $0xffff  }
0x24c: {  	vm15 =	vle.f32 v41, v44;
	v41 =	vld.idx.msk [tilespmem:v55+s16+$0x0], $0xffff  }
0x24d: {  	v5 =	vsel vm5, v45, v21;
	v55 =	vld [tilespmem:$0x1FCA0]  }
0x24e: {  	v45 =	vadd.s32 $0x1, v54;
	v57 =	vmul.f32 v57, v28;
	v54 =	vld.idx.msk [tilespmem:v16+s16+$0x0], $0xffff;
	vm14 =	vle.f32 v8, v30  }
0x24f: {  	v10 =	vsel vm14, v10, v33;
	v33 =	vld.idx.msk [tilespmem:v32+s16+$0x0], $0xffff  }
0x250: {  	v32 =	vmul.f32 v60, v59;
	v8 =	vsel vm15, v40, v34;
	v34 =	vadd.f32 v57, v56;
	v57 =	vld [tilespmem:$0x1FCB0]  }
0x251: {  	v17 =	vld.idx.msk [tilespmem:v17+s16+$0x0], $0xffff;
	vm12 =	vle.f32 v9, v29  }
0x252: {  	v49 =	vld.idx.msk [tilespmem:v42+s13+$0x0], $0xffff;
	v11 =	vsel vm12, v11, v38;
	v38 =	vadd.f32 v32, v55  }
0x253: {  	v60 =	vld [tilespmem:$0x1FCD0];
	v56 =	vadd.s32 $0x1, v46;
	v40 =	vmul.f32 v48, v47  }
0x254: {  	v42 =	vld.idx.msk [tilespmem:v42+s16+$0x0], $0xffff;
	v47 =	vadd.s32 $0x1, v51;
	v34 =	vmax.f32 v34, $0.0e+00;
	v38 =	vmax.f32 v38, $0.0e+00  }
0x255: {  	v51 =	vmul.f32 v61, v57;
	v61 =	vmin.f32 v34, $1.000000000e+00;
	v34 =	vmin.f32 v38, $1.000000000e+00;
	v38 =	vld [tilespmem:$0x1FCF0]  }
0x256: {  	v9 =	vld.idx.msk [tilespmem:v16+s13+$0x0], $0xffff  }
0x257: {  	v59 =	vld [tilespmem:$0x1FCC0]  }
0x258: {  	v53 =	vsel vm4, v53, v23;
	v37 =	vadd.s32 $0x1, v37;
	v0 =	vmul.f32 v49, v60;
	v49 =	vld.idx.msk [tilespmem:v56+s13+$0x0], $0xffff  }
0x259: {  	v46 =	vadd.s32 $0x1, v53;
	v2 =	vld.idx.msk [tilespmem:v47+s13+$0x0], $0xffff  }
0x25a: {  	v55 =	vadd.s32 $0x2, v15;
	v57 =	vmul.f32 v35, v38;
	v35 =	vadd.f32 v0, v42;
	v42 =	vld [tilespmem:$0x1FD00]  }
0x25b: {  	v53 =	vadd.s32 $0x2, v14;
	v32 =	vld [tilespmem:$0x1FCE0]  }
0x25c: {  	v16 =	vmul.f32 v1, v59;
	v1 =	vld.idx.msk [tilespmem:v45+s13+$0x0], $0xffff  }
0x25d: {  	v58 =	vsel vm6, v58, v4;
	v50 =	vmul.f32 v52, v50;
	v52 =	vadd.s32 $0x2, v13;
	v59 =	vld.idx.msk [tilespmem:v37+s13+$0x0], $0xffff  }
0x25e: {  	v60 =	vadd.f32 v40, v18;
	v40 =	vadd.s32 $0x1, v58;
	v58 =	vld.idx.msk [tilespmem:v46+s13+$0x0], $0xffff;
	v3 =	vadd.f32 v51, v41  }
0x25f: {  	v41 =	vadd.s32 $0x1, v62;
	v62 =	vld.idx.msk [tilespmem:v55+s15+$0x0], $0xffff;
	v18 =	vmul.f32 v49, v42;
	v49 =	vmul.f32 v2, v22  }
0x260: {  	v16 =	vadd.f32 v16, v39;
	v9 =	vmul.f32 v9, v32;
	[tilespmem:s19+$0x3C70] =	vst v61;
	v61 =	vld.idx.msk [tilespmem:v53+s15+$0x0], $0xffff  }
0x261: {  	v48 =	vadd.s32 $0x1, v5;
	v63 =	vmul.f32 v1, v63;
	v17 =	vadd.f32 v57, v17;
	v57 =	vld.idx.msk [tilespmem:v37+s16+$0x0], $0xffff;
	[tilespmem:$0x1FD10] =	vst v49  }
0x262: {  	v39 =	vmax.f32 v60, $0.0e+00;
	v51 =	vadd.s32 $0x2, v10;
	v38 =	vadd.f32 v50, v33;
	[tilespmem:s20+$0x3C70] =	vst v34  }
0x263: {  	v9 =	vadd.f32 v9, v54;
	v54 =	vadd.s32 $0x2, v11;
	v50 =	vadd.s32 $0x2, v12;
	[tilespmem:$0x1FD20] =	vst v63  }
0x264: {  	s24 =	simm.s32 $0x18;
	s22 =	simm.s32 $0x10;
	s23 =	simm.s32 $0x800;
	v42 =	vmax.f32 v38, $0.0e+00;
	v38 =	vmax.f32 v3, $0.0e+00;
	v49 =	vadd.s32 $0x2, v8;
	v60 =	vld.idx.msk [tilespmem:v52+s15+$0x0], $0xffff  }
.LBB2_4:
0x265: {  	_ =	sdelay $0x1  }
0x266: {  	v32 =	vld.idx.msk [tilespmem:v51+s15+$0x0], $0xffff  }
0x267: {  	v37 =	vld.idx.msk [tilespmem:v54+s15+$0x0], $0xffff  }
0x268: {  	v33 =	vld.idx.msk [tilespmem:v48+s13+$0x0], $0xffff  }
0x269: {  	v34 =	vld [tilespmem:$0x1FC10]  }
0x26a: {  	s25 =	smulhi.u32 $0xAAAAAAAB, s24;
	v0 =	vmax.f32 v35, $0.0e+00;
	v35 =	vld.idx.msk [tilespmem:v49+s15+$0x0], $0xffff;
	vm7 =	vle.f32 v60, v19  }
0x26b: {  	v36 =	vmul.f32 v59, v36;
	v52 =	vsel vm7, v52, v13;
	v13 =	vld.idx.msk [tilespmem:v41+s13+$0x0], $0xffff;
	vm10 =	vle.f32 v32, v30  }
0x26c: {  	s26 =	sshrl.u32 s25, $0x7;
	v2 =	vmul.f32 v58, v27;
	v58 =	vsel vm10, v51, v10;
	v51 =	vld [tilespmem:$0x1FC30]  }
0x26d: {  	v1 =	vmov v29;
	s26 =	smul.u32 $0xC00, s26;
	v36 =	vadd.f32 v36, v57  }
0x26e: {  	s23 =	sadd.s32 $0x400, s23;
	[tilespmem:$0x1FAD0] =	vst v1;
	s28 =	sshrl.u32 s25, $0x4;
	s25 =	sshll.u32 s25, $0x3;
	vm0 =	vle.f32 v62, v6;
	vm8 =	vle.f32 v37, v1;
	v1 =	vmul.f32 v33, v34  }
0x26f: {  	s25 =	sand.u32 $0x380, s25;
	s28 =	smul.u32 $0xC00, s28;
	vm6 =	vle.f32 v61, v7;
	v3 =	vsel vm0, v55, v15;
	s26 =	sadd.s32 s26, s23;
	v15 =	vmax.f32 v36, $0.0e+00  }
0x270: {  	v59 =	vld.idx.msk [tilespmem:v50+s15+$0x0], $0xffff;
	v4 =	vsel vm6, v53, v14;
	s25 =	sadd.s32 s25, s26;
	[tilespmem:$0x1FB10] =	vst v1;
	v14 =	vmin.f32 v15, $1.000000000e+00  }
0x271: {  	v39 =	vmin.f32 v39, $1.000000000e+00;
	vm11 =	vle.f32 v35, v44;
	v35 =	vld [tilespmem:$0x1FC20];
	s25 =	ssub.s32 s25, s28;
	[tilespmem:s21+$0x3C70] =	vst v14;
	v1 =	vmul.f32 v13, v51  }
0x272: {  	[tilespmem:s19+$0x3C00] =	vst v39;
	v36 =	vld [tilespmem:s25+$0x70]  }
0x273: {  	[tilespmem:$0x1FB30] =	vst v1;
	v1 =	vld [tilespmem:$0x1FB70]  }
0x274: {  	v42 =	vmin.f32 v42, $1.000000000e+00;
	v54 =	vsel vm8, v54, v11;
	v11 =	vld.idx.msk [tilespmem:v56+s16+$0x0], $0xffff  }
0x275: {  	v38 =	vmin.f32 v38, $1.000000000e+00;
	[tilespmem:s19+$0x3C10] =	vst v42;
	v39 =	vld [tilespmem:s25+$0x0]  }
0x276: {  	v16 =	vmax.f32 v16, $0.0e+00;
	[tilespmem:s19+$0x3C20] =	vst v38;
	v38 =	vld [tilespmem:s25+$0x10]  }
0x277: {  	v9 =	vmax.f32 v9, $0.0e+00;
	v16 =	vmin.f32 v16, $1.000000000e+00;
	v37 =	vld [tilespmem:s25+$0x20]  }
0x278: {  	v17 =	vmax.f32 v17, $0.0e+00;
	v0 =	vmin.f32 v0, $1.000000000e+00;
	v15 =	vld.idx.msk [tilespmem:v40+s13+$0x0], $0xffff;
	vm12 =	vle.f32 v1, v36  }
0x279: {  	v63 =	vmin.f32 v9, $1.000000000e+00;
	[tilespmem:s19+$0x3C30] =	vst v16;
	v61 =	vsel vm11, v49, v8;
	v31 =	vld [tilespmem:s25+$0x40];
	v8 =	vsel vm12, $0x3F, v43  }
0x27a: {  	v16 =	vmovc v26;
	v34 =	vmin.f32 v17, $1.000000000e+00;
	vm9 =	vle.f32 v59, v26;
	v26 =	vld [tilespmem:s25+$0x30];
	v10 =	vadd.s32 $0x20, v8  }
0x27b: {  	v53 =	vadd.s32 $0x1, v3;
	v56 =	vsel vm9, v50, v12;
	v50 =	vmovc v30;
	v30 =	vld [tilespmem:s25+$0x50];
	v9 =	vshrl.u32 v10, $0x3  }
0x27c: {  	[tilespmem:$0x1FB40] =	vst v6;
	v55 =	vadd.s32 $0x1, v4;
	v33 =	vadd.f32 v18, v11;
	v11 =	vperm.xlane v20, v9  }
0x27d: {  	[tilespmem:$0x1FB00] =	vst v2;
	v57 =	vadd.s32 $0x1, v52;
	v42 =	vmul.f32 v15, v35;
	vm1 =	vle.f32 v1, v39  }
0x27e: {  	[tilespmem:$0x1FAF0] =	vst v4;
	vm13 =	vle.f32 v1, v38;
	vm14 =	vle.f32 v1, v37;
	vm6 =	vle.f32 v11, v36  }
0x27f: {  	[tilespmem:$0x1FB20] =	vst v42;
	v42 =	vld [tilespmem:s25+$0x60];
	vm15 =	vle.f32 v1, v26;
	vm4 =	vle.f32 v1, v31;
	v12 =	vsel vm6, v10, v8  }
0x280: {  	[tilespmem:s19+$0x3C40] =	vst v0;
	vm5 =	vle.f32 v1, v30;
	v2 =	vsel vm1, $0x3F, v43;
	v13 =	vadd.s32 $0x10, v12  }
0x281: {  	[tilespmem:s19+$0x3C50] =	vst v63;
	v63 =	vmovc v7;
	v0 =	vsel vm13, $0x3F, v43;
	v4 =	vsel vm14, $0x3F, v43;
	v8 =	vshrl.u32 v13, $0x3  }
0x282: {  	[tilespmem:$0x1FB50] =	vst v7;
	v35 =	vmovc v44;
	v44 =	vmovc v19;
	v7 =	vsel vm15, $0x3F, v43;
	v19 =	vsel vm4, $0x3F, v43;
	v11 =	vperm.xlane v20, v8  }
0x283: {  	[tilespmem:$0x1FAE0] =	vst v3;
	v3 =	vmovc v6;
	v22 =	vsel vm5, $0x3F, v43;
	v6 =	vadd.s32 $0x20, v2;
	v23 =	vadd.s32 $0x20, v0  }
0x284: {  	v21 =	vadd.s32 $0x20, v7;
	vm7 =	vle.f32 v1, v42;
	vm8 =	vle.f32 v11, v36  }
0x285: {  	v51 =	vld.idx.msk [tilespmem:v47+s16+$0x0], $0xffff;
	[tilespmem:s19+$0x3C60] =	vst v34;
	v14 =	vshrl.u32 v6, $0x3;
	v47 =	vshrl.u32 v23, $0x3;
	v34 =	vsel vm8, v13, v12  }
0x286: {  	v24 =	vsel vm7, $0x3F, v43;
	v12 =	vld.idx.msk [tilespmem:v48+s16+$0x0], $0xffff;
	v48 =	vperm.xlane v20, v14;
	v43 =	vadd.s32 $0x8, v34  }
0x287: {  	v29 =	vshrl.u32 v21, $0x3;
	v13 =	vld.idx.msk [tilespmem:v40+s16+$0x0], $0xffff;
	v40 =	vperm.xlane v20, v47;
	v47 =	vshrl.u32 v43, $0x3  }
0x288: {  	v28 =	vadd.s32 $0x20, v24;
	vm9 =	vle.f32 v48, v39;
	v48 =	vperm.xlane v20, v47  }
0x289: {  	v60 =	vadd.s32 $0x1, v58;
	v29 =	vperm.xlane v20, v29;
	v32 =	vshrl.u32 v28, $0x3  }
0x28a: {  	v49 =	vadd.s32 $0x1, v61;
	v15 =	vld.idx.msk [tilespmem:v53+s15+$0x0], $0xffff;
	v32 =	vperm.xlane v20, v32;
	vm3 =	vle.f32 v48, v36  }
0x28b: {  	v5 =	vld.idx.msk [tilespmem:v55+s15+$0x0], $0xffff;
	v25 =	vadd.s32 $0x20, v4;
	vm4 =	vle.f32 v29, v26;
	v29 =	vsel vm3, v43, v34  }
0x28c: {  	v27 =	vadd.s32 $0x20, v22;
	v9 =	vld.idx.msk [tilespmem:v57+s15+$0x0], $0xffff;
	vm6 =	vle.f32 v32, v42;
	v32 =	vadd.s32 $0x4, v29  }
0x28d: {  	v59 =	vadd.s32 $0x1, v54;
	[tilespmem:$0x1FB60] =	vst v33;
	v33 =	vshrl.u32 v27, $0x3;
	v8 =	vld.idx.msk [tilespmem:v45+s16+$0x0], $0xffff;
	v45 =	vshrl.u32 v25, $0x3  }
0x28e: {  	v1 =	vadd.s32 $0x20, v19;
	v33 =	vperm.xlane v20, v33;
	v45 =	vperm.xlane v20, v45  }
0x28f: {  	v62 =	vadd.s32 $0x1, v56;
	vm1 =	vle.f32 v15, v3;
	v11 =	vld.idx.msk [tilespmem:v46+s16+$0x0], $0xffff;
	v46 =	vshrl.u32 v1, $0x3  }
0x290: {  	vm11 =	vle.f32 v33, v30;
	vm2 =	vle.f32 v45, v37;
	v47 =	vperm.xlane v20, v46  }
0x291: {  	vm0 =	vle.f32 v9, v44;
	v4 =	vsel vm2, v25, v4;
	vm2 =	vle.f32 v5, v63;
	v34 =	vld.idx.msk [tilespmem:v32+s15+$0x0], $0xffff  }
0x292: {  	vm10 =	vle.f32 v40, v38;
	v2 =	vsel vm9, v6, v2;
	vm5 =	vle.f32 v47, v31  }
0x293: {  	v0 =	vsel vm10, v23, v0;
	v23 =	vadd.s32 $0x10, v4;
	v1 =	vsel vm5, v1, v19  }
0x294: {  	v14 =	vld.idx.msk [tilespmem:v41+s16+$0x0], $0xffff;
	v6 =	vsel vm4, v21, v7;
	v41 =	vshrl.u32 v23, $0x3;
	v25 =	vadd.s32 $0x10, v1  }
0x295: {  	v7 =	vsel vm11, v27, v22;
	v3 =	vperm.xlane v20, v41;
	v45 =	vshrl.u32 v25, $0x3  }
0x296: {  	v22 =	vsel vm6, v28, v24;
	v5 =	vperm.xlane v20, v45;
	vm14 =	vle.f32 v34, v36  }
0x297: {  	v21 =	vadd.s32 $0x10, v0;
	vm15 =	vle.f32 v3, v37;
	v3 =	vsel vm14, v32, v29  }
0x298: {  	v24 =	vadd.s32 $0x10, v6;
	vm10 =	vle.f32 v5, v31;
	v5 =	vadd.s32 $0x2, v3  }
0x299: {  	v28 =	vadd.s32 $0x10, v7;
	v33 =	vadd.s32 $0x10, v22;
	v40 =	vshrl.u32 v21, $0x3  }
0x29a: {  	v48 =	vshrl.u32 v24, $0x3;
	v19 =	vadd.s32 $0x10, v2;
	v40 =	vperm.xlane v20, v40  }
0x29b: {  	v46 =	vshrl.u32 v28, $0x3;
	v48 =	vperm.xlane v20, v48;
	v27 =	vshrl.u32 v19, $0x3  }
0x29c: {  	v47 =	vshrl.u32 v33, $0x3;
	v27 =	vperm.xlane v20, v27;
	vm13 =	vle.f32 v40, v38  }
0x29d: {  	vm9 =	vle.f32 v48, v26;
	v4 =	vsel vm15, v23, v4;
	v0 =	vsel vm13, v21, v0;
	v29 =	vld.idx.msk [tilespmem:v5+s15+$0x0], $0xffff  }
0x29e: {  	v6 =	vsel vm9, v24, v6;
	vm12 =	vle.f32 v27, v39;
	v27 =	vperm.xlane v20, v46  }
0x29f: {  	v23 =	vadd.s32 $0x8, v4;
	v46 =	vperm.xlane v20, v47;
	v24 =	vadd.s32 $0x8, v6  }
0x2a0: {  	v2 =	vsel vm12, v19, v2;
	v63 =	vshrl.u32 v24, $0x3;
	vm7 =	vle.f32 v27, v30  }
0x2a1: {  	vm11 =	vle.f32 v46, v42;
	v1 =	vsel vm10, v25, v1;
	v19 =	vadd.s32 $0x8, v2  }
0x2a2: {  	v40 =	vperm.xlane v20, v63;
	v7 =	vsel vm7, v28, v7;
	vm12 =	vle.f32 v29, v36  }
0x2a3: {  	v21 =	vsel vm11, v33, v22;
	v22 =	vadd.s32 $0x8, v0;
	v3 =	vsel vm12, v5, v3  }
0x2a4: {  	v17 =	vld.idx.msk [tilespmem:v60+s15+$0x0], $0xffff;
	v25 =	vadd.s32 $0x8, v1;
	v47 =	vshrl.u32 v19, $0x3;
	v5 =	vadd.s32 $0x1, v3  }
0x2a5: {  	[tilespmem:$0x1FC20] =	vst v50;
	v50 =	vld.idx.msk [tilespmem:v59+s15+$0x0], $0xffff;
	v27 =	vadd.s32 $0x8, v7;
	v48 =	vshrl.u32 v22, $0x3;
	v41 =	vshrl.u32 v25, $0x3  }
0x2a6: {  	v18 =	vld.idx.msk [tilespmem:v62+s15+$0x0], $0xffff;
	v43 =	vshrl.u32 v27, $0x3;
	v33 =	vperm.xlane v20, v48;
	v9 =	vperm.xlane v20, v41  }
0x2a7: {  	v15 =	vld [tilespmem:$0x1FAE0];
	v28 =	vadd.s32 $0x8, v21;
	v63 =	vmovc v44;
	v44 =	vperm.xlane v20, v43;
	v34 =	vshrl.u32 v23, $0x3  }
0x2a8: {  	v10 =	vld.idx.msk [tilespmem:v49+s15+$0x0], $0xffff;
	vm4 =	vle.f32 v33, v38;
	vm15 =	vle.f32 v9, v31;
	v32 =	vperm.xlane v20, v47  }
0x2a9: {  	v34 =	vperm.xlane v20, v34;
	vm14 =	vle.f32 v40, v26;
	v0 =	vsel vm4, v22, v0;
	v9 =	vld.idx.msk [tilespmem:v5+s15+$0x0], $0xffff  }
0x2aa: {  	v33 =	vld [tilespmem:$0x1FB40];
	v1 =	vsel vm15, v25, v1;
	v22 =	vadd.s32 $0x4, v0;
	vm3 =	vle.f32 v32, v39  }
0x2ab: {  	vm8 =	vle.f32 v44, v30;
	v47 =	vld [tilespmem:$0x1FC20];
	v25 =	vadd.s32 $0x4, v1;
	v2 =	vsel vm3, v19, v2  }
0x2ac: {  	v6 =	vsel vm14, v24, v6;
	v7 =	vsel vm8, v27, v7;
	v27 =	vld [tilespmem:$0x1FAD0];
	v19 =	vadd.s32 $0x4, v2  }
0x2ad: {  	[tilespmem:$0x1FC10] =	vst v16;
	vm14 =	vle.f32 v18, v16;
	v16 =	vld [tilespmem:$0x1FAF0];
	vm13 =	vle.f32 v34, v37;
	v44 =	vadd.s32 $0x4, v7  }
0x2ae: {  	v48 =	vshrl.u32 v28, $0x3;
	v4 =	vsel vm13, v23, v4;
	vm8 =	vle.f32 v9, v36;
	v9 =	vld [tilespmem:$0x1FD20]  }
0x2af: {  	v15 =	vsel vm1, v53, v15;
	v46 =	vperm.xlane v20, v48;
	v23 =	vadd.s32 $0x4, v4;
	v53 =	vld.idx.msk [tilespmem:v22+s15+$0x0], $0xffff  }
0x2b0: {  	vm15 =	vle.f32 v17, v47;
	v17 =	vsel vm0, v57, v52;
	v52 =	vsel vm14, v62, v56;
	v62 =	vld.idx.msk [tilespmem:v25+s15+$0x0], $0xffff  }
0x2b1: {  	vm7 =	vle.f32 v10, v35;
	v10 =	vld.idx.msk [tilespmem:v19+s15+$0x0], $0xffff;
	vm12 =	vle.f32 v46, v42  }
0x2b2: {  	v24 =	vadd.s32 $0x4, v6;
	v18 =	vld.idx.msk [tilespmem:v44+s15+$0x0], $0xffff;
	v21 =	vsel vm12, v28, v21  }
0x2b3: {  	v28 =	vadd.s32 $0x4, v21;
	v34 =	vadd.f32 v9, v8;
	v8 =	vld [tilespmem:$0x1FB00]  }
0x2b4: {  	v56 =	vadd.s32 $0x1, v15;
	vm13 =	vle.f32 v50, v27;
	v9 =	vld [tilespmem:$0x1FB10]  }
0x2b5: {  	v16 =	vsel vm2, v55, v16;
	v15 =	vsel vm15, v60, v58;
	v60 =	vsel vm7, v49, v61;
	v61 =	vld.idx.msk [tilespmem:v23+s15+$0x0], $0xffff  }
0x2b6: {  	v47 =	vadd.s32 $0x1, v16;
	v29 =	vsel vm13, v59, v54;
	vm9 =	vle.f32 v10, v39;
	v10 =	vld [tilespmem:$0x1FB30]  }
0x2b7: {  	v46 =	vadd.s32 $0x1, v29;
	v29 =	vld.idx.msk [tilespmem:v24+s15+$0x0], $0xffff  }
0x2b8: {  	v16 =	vadd.f32 v8, v11;
	v8 =	vld.idx.msk [tilespmem:v28+s15+$0x0], $0xffff  }
0x2b9: {  	[tilespmem:$0x1FC30] =	vst v35;
	v45 =	vadd.s32 $0x1, v17;
	v35 =	vadd.f32 v9, v12;
	v9 =	vld [tilespmem:$0x1FB20]  }
0x2ba: {  	v40 =	vadd.s32 $0x1, v15;
	vm10 =	vle.f32 v53, v38;
	v15 =	vsel vm9, v19, v2;
	v2 =	vld.idx.msk [tilespmem:v56+s13+$0x0], $0xffff  }
0x2bb: {  	vm14 =	vle.f32 v18, v30;
	v17 =	vadd.f32 v10, v14;
	v14 =	vsel vm10, v22, v0;
	v0 =	vld.idx.msk [tilespmem:v47+s13+$0x0], $0xffff  }
0x2bc: {  	vm11 =	vle.f32 v61, v37;
	v55 =	vadd.s32 $0x2, v15;
	v3 =	vsel vm8, v5, v3;
	v5 =	vld [tilespmem:$0x1FD10]  }
0x2bd: {  	v10 =	vsel vm14, v44, v7;
	v44 =	vmovc v42;
	v53 =	vadd.s32 $0x2, v14;
	vm15 =	vle.f32 v8, v42;
	v42 =	vld [tilespmem:$0x1FB50]  }
0x2be: {  	v3 =	vadd.s32 $0x1, v3;
	v9 =	vadd.f32 v9, v13;
	v13 =	vsel vm11, v23, v4;
	v4 =	vld.idx.msk [tilespmem:v45+s13+$0x0], $0xffff  }
0x2bf: {  	s22 =	sadd.s32 $0x8, s22;
	v43 =	vimm.s32 $0xFFFFFFFF;
	v41 =	vadd.s32 $0x1, v60;
	v60 =	vld [tilespmem:$0x1FB60]  }
0x2c0: {  	p1 =	slt.u32 s22, $0x3B8;
	v48 =	vadd.s32 $0x1, v52;
	vm13 =	vle.f32 v62, v31;
	v58 =	vld.idx.msk [tilespmem:v46+s13+$0x0], $0xffff;
	v52 =	vadd.s32 $0x2, v13  }
.Ltmp1:
0x2c1: {  	vm12 =	vle.f32 v29, v26;
	v18 =	vmul.f32 v2, v33;
	v62 =	vld.idx.msk [tilespmem:v55+s15+$0x0], $0xffff;
	v5 =	vadd.f32 v5, v51;
	(pc) =	sbr.rel @p1 .LBB2_4-.Ltmp1, $4  }
0x2c2: {  	v19 =	vmovc v37;
	v7 =	vmovc v38;
	v61 =	vld.idx.msk [tilespmem:v53+s15+$0x0], $0xffff;
	v51 =	vadd.s32 $0x2, v10;
	v38 =	vmax.f32 v34, $0.0e+00;
	v0 =	vmul.f32 v0, v42  }
0x2c3: {  	v59 =	vld.idx.msk [tilespmem:v3+s13+$0x0], $0xffff;
	v11 =	vsel vm12, v24, v6;
	v12 =	vsel vm13, v25, v1;
	v63 =	vmul.f32 v4, v63  }
0x2c4: {  	s24 =	sadd.s32 $0x8, s24;
	v57 =	vld.idx.msk [tilespmem:v3+s16+$0x0], $0xffff;
	v6 =	vmovc v39;
	v39 =	vmax.f32 v60, $0.0e+00;
	v54 =	vadd.s32 $0x2, v11;
	v8 =	vsel vm15, v28, v21;
	[tilespmem:$0x1FD10] =	vst v0  }
0x2c5: {  	s19 =	smov.u32 s20;
	s20 =	smov.u32 s21;
	s21 =	smov.u32 s25;
	v29 =	vmovc v26;
	v26 =	vmovc v31;
	v50 =	vadd.s32 $0x2, v12;
	v49 =	vadd.s32 $0x2, v8;
	v42 =	vmax.f32 v5, $0.0e+00;
	v60 =	vld.idx.msk [tilespmem:v52+s15+$0x0], $0xffff;
	[tilespmem:$0x1FD20] =	vst v63  }
0x2c6: {  	_ =	sdelay $0x3  }
0x2c7: {  	v0 =	vld.idx.msk [tilespmem:v54+s15+$0x0], $0xffff  }
0x2c8: {  	vm0 =	vle.f32 v62, v6;
	v1 =	vld.idx.msk [tilespmem:v50+s15+$0x0], $0xffff  }
0x2c9: {  	v3 =	vld.idx.msk [tilespmem:v51+s15+$0x0], $0xffff;
	v2 =	vsel vm0, v55, v15  }
0x2ca: {  	v37 =	vmov v6;
	v6 =	vld.idx.msk [tilespmem:v49+s15+$0x0], $0xffff;
	vm4 =	vle.f32 v61, v7;
	v5 =	vadd.s32 $0x1, v2  }
0x2cb: {  	v20 =	vld.idx.msk [tilespmem:v41+s13+$0x0], $0xffff;
	v4 =	vsel vm4, v53, v14  }
0x2cc: {  	v43 =	vmov v7;
	v22 =	vld.idx.msk [tilespmem:v56+s16+$0x0], $0xffff;
	v7 =	vadd.s32 $0x1, v4  }
0x2cd: {  	v63 =	vmin.f32 v39, $1.000000000e+00;
	v32 =	vld.idx.msk [tilespmem:v47+s16+$0x0], $0xffff;
	vm5 =	vle.f32 v60, v19  }
0x2ce: {  	v34 =	vld.idx.msk [tilespmem:v45+s16+$0x0], $0xffff;
	v13 =	vsel vm5, v52, v13;
	vm6 =	vle.f32 v0, v29;
	vm7 =	vle.f32 v1, v26  }
0x2cf: {  	v11 =	vsel vm6, v54, v11;
	v1 =	vadd.s32 $0x1, v13;
	v12 =	vsel vm7, v50, v12;
	v54 =	vld.idx.msk [tilespmem:v5+s15+$0x0], $0xffff  }
0x2d0: {  	v39 =	vld.idx.msk [tilespmem:v48+s16+$0x0], $0xffff;
	vm8 =	vle.f32 v3, v30;
	vm9 =	vle.f32 v6, v44;
	v6 =	vadd.s32 $0x1, v12  }
0x2d1: {  	v10 =	vsel vm8, v51, v10;
	v3 =	vadd.s32 $0x1, v11;
	v55 =	vld.idx.msk [tilespmem:v7+s15+$0x0], $0xffff  }
0x2d2: {  	v53 =	vld.idx.msk [tilespmem:v48+s13+$0x0], $0xffff;
	v8 =	vsel vm9, v49, v8;
	v21 =	vadd.s32 $0x1, v10  }
0x2d3: {  	v0 =	vld.idx.msk [tilespmem:v40+s13+$0x0], $0xffff;
	v23 =	vadd.s32 $0x1, v8  }
0x2d4: {  	v24 =	vld.idx.msk [tilespmem:v1+s15+$0x0], $0xffff;
	vm10 =	vle.f32 v54, v37  }
0x2d5: {  	v2 =	vsel vm10, v5, v2;
	v5 =	vld.idx.msk [tilespmem:v6+s15+$0x0], $0xffff  }
0x2d6: {  	v60 =	vld.idx.msk [tilespmem:v3+s15+$0x0], $0xffff;
	vm11 =	vle.f32 v55, v43  }
0x2d7: {  	v61 =	vld.idx.msk [tilespmem:v21+s15+$0x0], $0xffff;
	v4 =	vsel vm11, v7, v4;
	v2 =	vadd.s32 $0x1, v2  }
0x2d8: {  	v28 =	vld.idx.msk [tilespmem:v23+s15+$0x0], $0xffff;
	v4 =	vadd.s32 $0x1, v4  }
0x2d9: {  	v31 =	vmov v30;
	v30 =	vmov v26;
	v7 =	vmul.f32 v59, v36;
	v36 =	vld.idx.msk [tilespmem:v46+s16+$0x0], $0xffff  }
0x2da: {  	vm13 =	vle.f32 v5, v30;
	v5 =	vld.idx.msk [tilespmem:v40+s16+$0x0], $0xffff  }
0x2db: {  	v16 =	vmax.f32 v16, $0.0e+00;
	v33 =	vmin.f32 v42, $1.000000000e+00;
	[tilespmem:s19+$0x3C00] =	vst v63;
	v7 =	vadd.f32 v7, v57;
	v40 =	vld.idx.msk [tilespmem:v41+s16+$0x0], $0xffff  }
0x2dc: {  	v25 =	vmax.f32 v35, $0.0e+00;
	v27 =	vmul.f32 v58, v27;
	[tilespmem:s19+$0x3C10] =	vst v33;
	v50 =	vmovc v19;
	v41 =	vmin.f32 v38, $1.000000000e+00;
	v42 =	vld.idx.msk [tilespmem:v2+s13+$0x0], $0xffff  }
0x2dd: {  	v9 =	vmax.f32 v9, $0.0e+00;
	vm12 =	vle.f32 v24, v50;
	v7 =	vmax.f32 v7, $0.0e+00;
	[tilespmem:s19+$0x3C20] =	vst v41;
	v45 =	vld.idx.msk [tilespmem:v4+s13+$0x0], $0xffff  }
0x2de: {  	v62 =	vmovc v29;
	v1 =	vsel vm12, v1, v13;
	v6 =	vsel vm13, v6, v12;
	v7 =	vmin.f32 v7, $1.000000000e+00;
	v12 =	vld [tilespmem:$0x1FC10]  }
0x2df: {  	v16 =	vmin.f32 v16, $1.000000000e+00;
	vm1 =	vle.f32 v60, v62;
	v1 =	vadd.s32 $0x1, v1;
	v46 =	vld [tilespmem:$0x1FC20];
	[tilespmem:s21+$0x3C70] =	vst v7  }
0x2e0: {  	v17 =	vmax.f32 v17, $0.0e+00;
	vm14 =	vle.f32 v61, v31;
	v3 =	vsel vm1, v3, v11;
	v7 =	vld [tilespmem:$0x1FC30];
	[tilespmem:s19+$0x3C30] =	vst v16  }
0x2e1: {  	vm15 =	vle.f32 v28, v44;
	v10 =	vsel vm14, v21, v10;
	v3 =	vadd.s32 $0x1, v3;
	v16 =	vld [tilespmem:$0x1FD10]  }
0x2e2: {  	v18 =	vadd.f32 v18, v22;
	v8 =	vsel vm15, v23, v8;
	v10 =	vadd.s32 $0x1, v10;
	v51 =	vld [tilespmem:$0x1FD20]  }
0x2e3: {  	v9 =	vmin.f32 v9, $1.000000000e+00;
	v48 =	vmin.f32 v25, $1.000000000e+00;
	v8 =	vadd.s32 $0x1, v8;
	v4 =	vld.idx.msk [tilespmem:v4+s16+$0x0], $0xffff  }
0x2e4: {  	v17 =	vmin.f32 v17, $1.000000000e+00;
	v57 =	vmax.f32 v18, $0.0e+00;
	v6 =	vadd.s32 $0x1, v6;
	[tilespmem:s19+$0x3C40] =	vst v48;
	v47 =	vld.idx.msk [tilespmem:v1+s13+$0x0], $0xffff  }
0x2e5: {  	v15 =	vmin.f32 v57, $1.000000000e+00;
	v2 =	vld.idx.msk [tilespmem:v2+s16+$0x0], $0xffff;
	[tilespmem:s19+$0x3C50] =	vst v9;
	v12 =	vmul.f32 v53, v12;
	v0 =	vmul.f32 v0, v46  }
0x2e6: {  	v49 =	vld.idx.msk [tilespmem:v3+s13+$0x0], $0xffff;
	v53 =	vadd.f32 v27, v36;
	v56 =	vmul.f32 v45, v43;
	v16 =	vadd.f32 v16, v32  }
0x2e7: {  	v54 =	vld.idx.msk [tilespmem:v10+s13+$0x0], $0xffff;
	v7 =	vmul.f32 v20, v7;
	v22 =	vadd.f32 v51, v34;
	v12 =	vadd.f32 v12, v39  }
0x2e8: {  	[tilespmem:s19+$0x3C60] =	vst v17;
	v55 =	vld.idx.msk [tilespmem:v8+s13+$0x0], $0xffff;
	v0 =	vadd.f32 v0, v5;
	v59 =	vmax.f32 v53, $0.0e+00;
	v4 =	vadd.f32 v56, v4  }
0x2e9: {  	v52 =	vld.idx.msk [tilespmem:v6+s13+$0x0], $0xffff;
	v5 =	vadd.f32 v7, v40;
	v7 =	vmul.f32 v42, v37;
	v14 =	vmul.f32 v47, v50  }
0x2ea: {  	[tilespmem:s20+$0x3C00] =	vst v15;
	v1 =	vld.idx.msk [tilespmem:v1+s16+$0x0], $0xffff;
	v61 =	vmin.f32 v59, $1.000000000e+00;
	v16 =	vmax.f32 v16, $0.0e+00;
	v58 =	vmax.f32 v22, $0.0e+00  }
0x2eb: {  	v3 =	vld.idx.msk [tilespmem:v3+s16+$0x0], $0xffff;
	v12 =	vmax.f32 v12, $0.0e+00;
	v60 =	vmul.f32 v49, v62;
	[tilespmem:s20+$0x3C30] =	vst v61;
	v16 =	vmin.f32 v16, $1.000000000e+00  }
0x2ec: {  	v6 =	vld.idx.msk [tilespmem:v6+s16+$0x0], $0xffff;
	v0 =	vmax.f32 v0, $0.0e+00;
	v13 =	vmul.f32 v54, v31;
	v17 =	vmin.f32 v58, $1.000000000e+00;
	[tilespmem:s20+$0x3C10] =	vst v16  }
0x2ed: {  	v63 =	vmul.f32 v55, v44;
	v12 =	vmin.f32 v12, $1.000000000e+00;
	v2 =	vadd.f32 v7, v2;
	v7 =	vld.idx.msk [tilespmem:v10+s16+$0x0], $0xffff;
	[tilespmem:s20+$0x3C20] =	vst v17  }
0x2ee: {  	v8 =	vld.idx.msk [tilespmem:v8+s16+$0x0], $0xffff;
	v5 =	vmax.f32 v5, $0.0e+00;
	v62 =	vmul.f32 v52, v30;
	v0 =	vmin.f32 v0, $1.000000000e+00;
	[tilespmem:s20+$0x3C40] =	vst v12  }
0x2ef: {  	v5 =	vmin.f32 v5, $1.000000000e+00;
	[tilespmem:s20+$0x3C50] =	vst v0;
	v0 =	vadd.f32 v14, v1;
	v1 =	vmax.f32 v2, $0.0e+00  }
0x2f0: {  	[tilespmem:s20+$0x3C60] =	vst v5;
	v2 =	vadd.f32 v60, v3;
	v3 =	vmax.f32 v4, $0.0e+00;
	v1 =	vmin.f32 v1, $1.000000000e+00  }
0x2f1: {  	v4 =	vadd.f32 v62, v6;
	v0 =	vmax.f32 v0, $0.0e+00;
	v3 =	vmin.f32 v3, $1.000000000e+00;
	[tilespmem:s21+$0x3C00] =	vst v1  }
0x2f2: {  	v2 =	vmax.f32 v2, $0.0e+00;
	v0 =	vmin.f32 v0, $1.000000000e+00;
	[tilespmem:s21+$0x3C10] =	vst v3;
	v1 =	vadd.f32 v13, v7  }
0x2f3: {  	v3 =	vadd.f32 v63, v8;
	v4 =	vmax.f32 v4, $0.0e+00;
	v2 =	vmin.f32 v2, $1.000000000e+00;
	[tilespmem:s21+$0x3C20] =	vst v0  }
0x2f4: {  	[tilespmem:s21+$0x3C30] =	vst v2;
	v0 =	vmax.f32 v1, $0.0e+00;
	v1 =	vmin.f32 v4, $1.000000000e+00  }
0x2f5: {  	v2 =	vmax.f32 v3, $0.0e+00;
	v0 =	vmin.f32 v0, $1.000000000e+00;
	[tilespmem:s21+$0x3C40] =	vst v1  }
0x2f6: {  	v1 =	vmin.f32 v2, $1.000000000e+00;
	[tilespmem:s21+$0x3C50] =	vst v0  }
0x2f7: {  	[tilespmem:s21+$0x3C60] =	vst v1  }
0x2f8: {  	[hbm4b:s8+s5] =	stream.linear.scatter [tilespmem:s17], [sflag:$0x1], $0x3000, $0x38;
	[tilespmem:$0x7A80] =	vst v63  }
0x2f9: {  	_ =	swait.ge [sflag:s12], $0x3000  }
0x2fa: {  	[sflag:s12] =	ssyncset.done $0x0  }
0x2fb: {  	s19 =	simm.s32 @!p0 $0x0;
	s20 =	simm.s32 @!p0 $0x6C00;
	[sflag:s12] =	ssyncadd.s32 $0xFFFFD000  }
0x2fc: {  	[hbm4b:s9+s19] =	stream.linear.scatter @!p0 [tilespmem:s20], [sflag:$0x1], $0xC00, $0x38;
	[tilespmem:$0x7A80] =	vst v63  }
0x2fd: {  	s19 =	simm.s32 @!p0 $0x1  }
0x2fe: {  	s18 =	sadd.s32 $0x1, s18;
	_ =	swait.ge @!p0 [sflag:s19], $0xC00  }
0x2ff: {  	p1 =	sne.s32 s18, s10;
	v2 =	vld [tilespmem:$0x1FFA0]  }
.Ltmp2:
0x300: {  	v3 =	vld [tilespmem:$0x1FFB0];
	(pc) =	sbr.rel @p1 .LBB2_1-.Ltmp2, $4  }
0x301: {  	v4 =	vld [tilespmem:$0x1FFC0]  }
0x302: {  	v5 =	vld [tilespmem:$0x1FFD0]  }
0x303: {  	[sflag:s19] =	ssyncset.done @!p0 $0x0;
	v6 =	vld [tilespmem:$0x1FFE0]  }
0x304: {  	v0 =	vlaneseq.u32;
	v1 =	vimm.s32 $0x0;
	v7 =	vld [tilespmem:$0x1FFF0];
	[sflag:s19] =	ssyncadd.s32 @!p0 $0xFFFFF400  }
0x305: {  	_ =	sfence.sel $0x180000  }
0x306: {  	[bflag:$0x0] =	sbarrier.arrive $0xFFFF  }
0x307: {  	p0 =	sne.s32 s0, $0x0;
	_ =	strace $0x90000047  }
0x308: {  	s0 =	sadd.s32 @!p0 $0x100000, s4;
	[bflag:$0x2] =	sbarrier.arrive $0xFFFF  }
0x309: {  	[sflag:s0] =	ssyncadd.tile.s32 @!p0 $0x1;
	_ =	shalt  }
.Lfunc_end2:
_tile_overlayer_lowered:
.L_overlay_start_2:
0x30a: {  	(tag) =	ssettag $0x2  }
0x30b: {  	s0 =	rddreg [dreg:$0x0];
	s2 =	stileid.u32  }
0x30c: {  	s1 =	rddreg [dreg:$0x1];
	p0 =	sne.s32 s2, $0x0  }
0x30d: {  	s3 =	rddreg [dreg:$0x2];
	[bflag:$0x3] =	sbarrier.arrive $0xFFFF;
	s2 =	simm.s32 @!p0 $0x1C01  }
0x30e: {  	[timem:s3], [sflag:s2] =	dma.local @!p0 [hbm:s0], s1  }
0x30f: {  	s0 =	simm.s32 @!p0 $0x1  }
0x310: {  	_ =	swait.ge @!p0 [sflag:s0], s1  }
0x311: {  	s1 =	ssub.s32 @!p0 $0x0, s1;
	[sflag:s0] =	ssyncset.done @!p0 $0x0  }
0x312: {  	[sflag:s0] =	ssyncadd.s32 @!p0 s1  }
0x313: {  	[bflag:$0x3] =	sbarrier.arrive $0xFFFF  }
0x314: {  	_ =	shalt  }

</sc_bundles>
